<compile_context>
chip_gen: v7x
topology: tpu7x:2x2x1
jax: 0.10.2.dev20260603
libtpu: 0.0.44.dev20260713+nightly
codegen_flags: <defaults>
</compile_context>

<pallas_src>
import functools

import jax
import jax.numpy as jnp
from jax import lax
from jax.experimental import pallas as pl
from jax.experimental.pallas import tpu as pltpu
from jax.experimental.pallas import tpu_sc as plsc

_L0 = 1000
_GROUP = 18432
_BLOCK = 2304
_MAXN = 512
_NGROUP = 8
_LANES = 16
_NROWS = 2 * _NGROUP


def _body(in_hbm, *refs):
    out0 = refs[0]
    outs = refs[1:1 + _NGROUP]
    rows_v = refs[1 + _NGROUP]
    l0_v = refs[2 + _NGROUP]
    sem_in = refs[3 + _NGROUP]
    sem_out = refs[4 + _NGROUP]
    sem_l0 = refs[5 + _NGROUP]
    sem_in2 = refs[6 + _NGROUP]

    wid = lax.axis_index("s") * 2 + lax.axis_index("c")

    neg_inf = jnp.full((_LANES,), -jnp.inf, dtype=jnp.float32)

    def _fire(sem):
        def fire_i(i, _):
            t = lax.rem(i, 2)
            g = lax.div(i, 2)
            lr = wid + t * (63 - 2 * wid)
            m = lax.rem(lr, 8)
            blk = lax.div(lr, 8)
            in_off = _L0 + g * _GROUP + blk * _BLOCK + 32 * m * (m + 1)
            for k in range(8):
                @pl.when(m == k)
                def _(k=k):
                    nn = 64 * (k + 1)
                    pltpu.async_copy(in_hbm.at[pl.ds(in_off, nn)],
                                     rows_v.at[pl.ds(i * _MAXN, nn)], sem)
            return 0
        return fire_i

    lax.fori_loop(0, _NROWS // 2, _fire(sem_in), 0)
    lax.fori_loop(_NROWS // 2, _NROWS, _fire(sem_in2), 0)

    @pl.when(wid == 0)
    def _():
        pltpu.async_copy(in_hbm.at[pl.ds(0, _L0)], l0_v, sem_l0)

    def _pad_row(i, _):
        t = lax.rem(i, 2)
        lr = wid + t * (63 - 2 * wid)
        m = lax.rem(lr, 8)
        base = i * _MAXN

        def _pad64(c, _):
            for k in range(4):
                rows_v[pl.ds(base + c * 64 + k * _LANES, _LANES)] = neg_inf
            return 0

        lax.fori_loop(m + 1, 8, _pad64, 0)
        return 0

    lax.fori_loop(0, _NROWS, _pad_row, 0)

    def _scatter(g, t):
        lr = wid + t * (63 - 2 * wid)
        pltpu.async_copy(rows_v.at[pl.ds((2 * g + t) * _MAXN, _MAXN)],
                         outs[g].at[lr], sem_out)

    pltpu.make_async_copy(in_hbm.at[pl.ds(0, _NGROUP // 2 * 576)],
                          rows_v.at[pl.ds(0, _NGROUP // 2 * 576)],
                          sem_in).wait()

    @pl.when(wid == 0)
    def _():
        pltpu.make_async_copy(in_hbm.at[pl.ds(0, _L0)], l0_v, sem_l0).wait()
        pltpu.async_copy(l0_v, out0.at[0], sem_l0)

    for g in range(_NGROUP // 2):
        for t in range(2):
            _scatter(g, t)

    pltpu.make_async_copy(in_hbm.at[pl.ds(0, _NGROUP // 2 * 576)],
                          rows_v.at[pl.ds(0, _NGROUP // 2 * 576)],
                          sem_in2).wait()
    for g in range(_NGROUP // 2, _NGROUP):
        for t in range(2):
            _scatter(g, t)

    pltpu.make_async_copy(in_hbm.at[pl.ds(0, _NROWS * _MAXN)],
                          rows_v, sem_out).wait()

    @pl.when(wid == 0)
    def _():
        pltpu.make_async_copy(in_hbm.at[pl.ds(0, _L0)], l0_v, sem_l0).wait()


_OUT_TYPE = (
    (jax.ShapeDtypeStruct((1, _L0), jnp.float32),)
    + tuple(jax.ShapeDtypeStruct((64, _MAXN), jnp.float32)
            for _ in range(_NGROUP))
)

_sc_interpret = functools.partial(
    pl.kernel,
    mesh=plsc.VectorSubcoreMesh(core_axis_name="c", subcore_axis_name="s"),
    out_type=_OUT_TYPE,
    scratch_types=[
        pltpu.VMEM((_NROWS * _MAXN,), jnp.float32),
        pltpu.VMEM((_L0,), jnp.float32),
        pltpu.SemaphoreType.DMA,
        pltpu.SemaphoreType.DMA,
        pltpu.SemaphoreType.DMA,
        pltpu.SemaphoreType.DMA,
    ],
)(_body)


def kernel(logits):
    return _sc_interpret(logits)

# --- scband reference (transcript-rebuilt; emitter-appended) ---
"""Pipeline reference for scband-action-interpreter-44796508897854 (READ-ONLY COPY).

The authoritative reference and input builder live on the scoring server;
editing this copy changes nothing except your own understanding.
"""

import jax, jax.numpy as jnp
import numpy as np

PATTERN = [64, 128, 192, 256, 320, 384, 448, 512]
NVEC = [[1000]] + [PATTERN * 8 for _ in range(8)]
OUT_FEATURES = int(sum(sum(v) for v in NVEC))  # 148456


def setup_inputs(seed: int = 0) -> dict:
    key = jax.random.key(seed)
    logits = jax.random.normal(key, (OUT_FEATURES,), dtype=jnp.float32)
    return {'logits': logits}


def reference(logits):
    # Faithful port of ActionInterpreter.interpret: split flat logits into
    # per-space chunks, then scatter each ragged chunk into a -inf padded
    # (num_subactions, max_n) grid.
    sizes = [int(sum(v)) for v in NVEC]
    split_points = np.cumsum(sizes)[:-1]
    parts = jnp.split(logits, split_points)
    leaves = []
    for v, lg in zip(NVEC, parts):
        nvec = np.asarray(v)
        y, x = len(nvec), int(nvec.max())
        grid = jnp.full((y, x), -jnp.inf, dtype=jnp.float32)
        rows = np.repeat(np.arange(y), nvec)
        cols = np.arange(int(nvec.sum())) - np.repeat(np.cumsum(nvec) - nvec, nvec)
        grid = grid.at[rows, cols].set(lg)
        leaves.append(grid)
    return tuple(leaves)

if __name__ == "__main__":
    import jax
    _d = setup_inputs()
    print(jax.jit(kernel)(*tuple(_d.values())))

</pallas_src>

<mosaic_0001>
#map = affine_map<(d0, d1) -> (0)>
#map1 = affine_map<(d0, d1) -> (0, 0)>
module attributes {stable_mosaic.version = 14 : i64} {
  func.func @_body(%arg0: i32, %arg1: i32, %arg2: memref<148456xf32, #tpu.memory_space<hbm>>, %arg3: memref<1x1000xf32, #tpu.memory_space<hbm>>, %arg4: memref<64x512xf32, #tpu.memory_space<hbm>>, %arg5: memref<64x512xf32, #tpu.memory_space<hbm>>, %arg6: memref<64x512xf32, #tpu.memory_space<hbm>>, %arg7: memref<64x512xf32, #tpu.memory_space<hbm>>, %arg8: memref<64x512xf32, #tpu.memory_space<hbm>>, %arg9: memref<64x512xf32, #tpu.memory_space<hbm>>, %arg10: memref<64x512xf32, #tpu.memory_space<hbm>>, %arg11: memref<64x512xf32, #tpu.memory_space<hbm>>, %arg12: memref<8192xf32, #tpu.memory_space<vmem>>, %arg13: memref<1000xf32, #tpu.memory_space<vmem>>, %arg14: memref<!tpu.dma_semaphore, #tpu.memory_space<semaphore_mem>>, %arg15: memref<!tpu.dma_semaphore, #tpu.memory_space<semaphore_mem>>, %arg16: memref<!tpu.dma_semaphore, #tpu.memory_space<semaphore_mem>>, %arg17: memref<!tpu.dma_semaphore, #tpu.memory_space<semaphore_mem>>) attributes {dimension_semantics = [#tpu.dimension_semantics<core_parallel>, #tpu.dimension_semantics<subcore_parallel>], iteration_bounds = array<i64: 2, 16>, scalar_prefetch = 0 : i64, scratch_operands = 6 : i64, tpu.core_type = #tpu.core_type<sc_vector_subcore>, window_params = [{transform_indices = #map}, {transform_indices = #map1}, {transform_indices = #map1}, {transform_indices = #map1}, {transform_indices = #map1}, {transform_indices = #map1}, {transform_indices = #map1}, {transform_indices = #map1}, {transform_indices = #map1}, {transform_indices = #map1}]} {
    %mul3A = arith.constant 2 : i32
    %mul3A_0 = arith.muli %arg1, %mul3A : i32
    %add3A = arith.addi %mul3A_0, %arg0 : i32
    %broadcast_in_dim3A = arith.constant 0xFF800000 : f32
    %broadcast_in_dim3A_1 = vector.broadcast %broadcast_in_dim3A : f32 to vector<16xf32>
    %scan3A = arith.constant 0 : i32
    %scan3A_2 = arith.constant 0 : i32
    %scan3A_3 = arith.constant 8 : i32
    %scan3A_4 = arith.addi %scan3A_2, %scan3A_3 : i32
    %scan3A_5 = arith.constant 1 : i32
    %scan3A_6 = scf.for %scan3A_323 = %scan3A_2 to %scan3A_4 step %scan3A_5 iter_args(%scan3A_324 = %scan3A) -> (i32)  : i32 {
      %rem3A = arith.constant 2 : i32
      %rem3A_325 = arith.remsi %scan3A_323, %rem3A : i32
      %div3A = arith.constant 2 : i32
      %div3A_326 = arith.divsi %scan3A_323, %div3A : i32
      %mul3A_327 = arith.constant 2 : i32
      %mul3A_328 = arith.muli %mul3A_327, %add3A : i32
      %sub3A_329 = arith.constant 63 : i32
      %sub3A_330 = arith.subi %sub3A_329, %mul3A_328 : i32
      %mul3A_331 = arith.muli %rem3A_325, %sub3A_330 : i32
      %add3A_332 = arith.addi %add3A, %mul3A_331 : i32
      %rem3A_333 = arith.constant 8 : i32
      %rem3A_334 = arith.remsi %add3A_332, %rem3A_333 : i32
      %div3A_335 = arith.constant 8 : i32
      %div3A_336 = arith.divsi %add3A_332, %div3A_335 : i32
      %mul3A_337 = arith.constant 18432 : i32
      %mul3A_338 = arith.muli %div3A_326, %mul3A_337 : i32
      %add3A_339 = arith.constant 1000 : i32
      %add3A_340 = arith.addi %add3A_339, %mul3A_338 : i32
      %mul3A_341 = arith.constant 2304 : i32
      %mul3A_342 = arith.muli %div3A_336, %mul3A_341 : i32
      %add3A_343 = arith.addi %add3A_340, %mul3A_342 : i32
      %mul3A_344 = arith.constant 32 : i32
      %mul3A_345 = arith.muli %mul3A_344, %rem3A_334 : i32
      %add3A_346 = arith.constant 1 : i32
      %add3A_347 = arith.addi %rem3A_334, %add3A_346 : i32
      %mul3A_348 = arith.muli %mul3A_345, %add3A_347 : i32
      %add3A_349 = arith.addi %add3A_343, %mul3A_348 : i32
      %eq3A_350 = arith.constant 0 : i32
      %eq3A_351 = arith.cmpi eq, %rem3A_334, %eq3A_350 : i32
      %convert_element_type3A_352 = arith.extui %eq3A_351 : i1 to i32
      %cond3A_353 = arith.constant 0 : i32
      %cond3A_354 = arith.cmpi ne, %convert_element_type3A_352, %cond3A_353 : i32
      scf.if %cond3A_354 {
        %mul3A_391 = arith.constant 512 : i32
        %mul3A_392 = arith.muli %scan3A_323, %mul3A_391 : i32
        %dma_start3A_393 = tpu.memref_slice %arg12[%mul3A_392] : memref<8192xf32, #tpu.memory_space<vmem>> -> memref<64xf32, #tpu.memory_space<vmem>>
        %dma_start3A_394 = tpu.memref_slice %arg2[%add3A_349] : memref<148456xf32, #tpu.memory_space<hbm>> -> memref<64xf32, #tpu.memory_space<hbm>>
        %dma_start3A_395 = tpu.memref_slice %arg12[%mul3A_392] : memref<8192xf32, #tpu.memory_space<vmem>> -> memref<64xf32, #tpu.memory_space<vmem>>
        %dma_start3A_396 = tpu.memref_slice %arg2[%add3A_349] : memref<148456xf32, #tpu.memory_space<hbm>> -> memref<64xf32, #tpu.memory_space<hbm>>
        tpu.enqueue_dma source(%dma_start3A_396 : memref<64xf32, #tpu.memory_space<hbm>>) target(%dma_start3A_395 : memref<64xf32, #tpu.memory_space<vmem>>) target_semaphore(%arg14 : memref<!tpu.dma_semaphore, #tpu.memory_space<semaphore_mem>>)
      } else {
      }
      %eq3A_355 = arith.constant 1 : i32
      %eq3A_356 = arith.cmpi eq, %rem3A_334, %eq3A_355 : i32
      %convert_element_type3A_357 = arith.extui %eq3A_356 : i1 to i32
      %cond3A_358 = arith.constant 0 : i32
      %cond3A_359 = arith.cmpi ne, %convert_element_type3A_357, %cond3A_358 : i32
      scf.if %cond3A_359 {
        %mul3A_391 = arith.constant 512 : i32
        %mul3A_392 = arith.muli %scan3A_323, %mul3A_391 : i32
        %dma_start3A_393 = tpu.memref_slice %arg12[%mul3A_392] : memref<8192xf32, #tpu.memory_space<vmem>> -> memref<128xf32, #tpu.memory_space<vmem>>
        %dma_start3A_394 = tpu.memref_slice %arg2[%add3A_349] : memref<148456xf32, #tpu.memory_space<hbm>> -> memref<128xf32, #tpu.memory_space<hbm>>
        %dma_start3A_395 = tpu.memref_slice %arg12[%mul3A_392] : memref<8192xf32, #tpu.memory_space<vmem>> -> memref<128xf32, #tpu.memory_space<vmem>>
        %dma_start3A_396 = tpu.memref_slice %arg2[%add3A_349] : memref<148456xf32, #tpu.memory_space<hbm>> -> memref<128xf32, #tpu.memory_space<hbm>>
        tpu.enqueue_dma source(%dma_start3A_396 : memref<128xf32, #tpu.memory_space<hbm>>) target(%dma_start3A_395 : memref<128xf32, #tpu.memory_space<vmem>>) target_semaphore(%arg14 : memref<!tpu.dma_semaphore, #tpu.memory_space<semaphore_mem>>)
      } else {
      }
      %eq3A_360 = arith.constant 2 : i32
      %eq3A_361 = arith.cmpi eq, %rem3A_334, %eq3A_360 : i32
      %convert_element_type3A_362 = arith.extui %eq3A_361 : i1 to i32
      %cond3A_363 = arith.constant 0 : i32
      %cond3A_364 = arith.cmpi ne, %convert_element_type3A_362, %cond3A_363 : i32
      scf.if %cond3A_364 {
        %mul3A_391 = arith.constant 512 : i32
        %mul3A_392 = arith.muli %scan3A_323, %mul3A_391 : i32
        %dma_start3A_393 = tpu.memref_slice %arg12[%mul3A_392] : memref<8192xf32, #tpu.memory_space<vmem>> -> memref<192xf32, #tpu.memory_space<vmem>>
        %dma_start3A_394 = tpu.memref_slice %arg2[%add3A_349] : memref<148456xf32, #tpu.memory_space<hbm>> -> memref<192xf32, #tpu.memory_space<hbm>>
        %dma_start3A_395 = tpu.memref_slice %arg12[%mul3A_392] : memref<8192xf32, #tpu.memory_space<vmem>> -> memref<192xf32, #tpu.memory_space<vmem>>
        %dma_start3A_396 = tpu.memref_slice %arg2[%add3A_349] : memref<148456xf32, #tpu.memory_space<hbm>> -> memref<192xf32, #tpu.memory_space<hbm>>
        tpu.enqueue_dma source(%dma_start3A_396 : memref<192xf32, #tpu.memory_space<hbm>>) target(%dma_start3A_395 : memref<192xf32, #tpu.memory_space<vmem>>) target_semaphore(%arg14 : memref<!tpu.dma_semaphore, #tpu.memory_space<semaphore_mem>>)
      } else {
      }
      %eq3A_365 = arith.constant 3 : i32
      %eq3A_366 = arith.cmpi eq, %rem3A_334, %eq3A_365 : i32
      %convert_element_type3A_367 = arith.extui %eq3A_366 : i1 to i32
      %cond3A_368 = arith.constant 0 : i32
      %cond3A_369 = arith.cmpi ne, %convert_element_type3A_367, %cond3A_368 : i32
      scf.if %cond3A_369 {
        %mul3A_391 = arith.constant 512 : i32
        %mul3A_392 = arith.muli %scan3A_323, %mul3A_391 : i32
        %dma_start3A_393 = tpu.memref_slice %arg12[%mul3A_392] : memref<8192xf32, #tpu.memory_space<vmem>> -> memref<256xf32, #tpu.memory_space<vmem>>
        %dma_start3A_394 = tpu.memref_slice %arg2[%add3A_349] : memref<148456xf32, #tpu.memory_space<hbm>> -> memref<256xf32, #tpu.memory_space<hbm>>
        %dma_start3A_395 = tpu.memref_slice %arg12[%mul3A_392] : memref<8192xf32, #tpu.memory_space<vmem>> -> memref<256xf32, #tpu.memory_space<vmem>>
        %dma_start3A_396 = tpu.memref_slice %arg2[%add3A_349] : memref<148456xf32, #tpu.memory_space<hbm>> -> memref<256xf32, #tpu.memory_space<hbm>>
        tpu.enqueue_dma source(%dma_start3A_396 : memref<256xf32, #tpu.memory_space<hbm>>) target(%dma_start3A_395 : memref<256xf32, #tpu.memory_space<vmem>>) target_semaphore(%arg14 : memref<!tpu.dma_semaphore, #tpu.memory_space<semaphore_mem>>)
      } else {
      }
      %eq3A_370 = arith.constant 4 : i32
      %eq3A_371 = arith.cmpi eq, %rem3A_334, %eq3A_370 : i32
      %convert_element_type3A_372 = arith.extui %eq3A_371 : i1 to i32
      %cond3A_373 = arith.constant 0 : i32
      %cond3A_374 = arith.cmpi ne, %convert_element_type3A_372, %cond3A_373 : i32
      scf.if %cond3A_374 {
        %mul3A_391 = arith.constant 512 : i32
        %mul3A_392 = arith.muli %scan3A_323, %mul3A_391 : i32
        %dma_start3A_393 = tpu.memref_slice %arg12[%mul3A_392] : memref<8192xf32, #tpu.memory_space<vmem>> -> memref<320xf32, #tpu.memory_space<vmem>>
        %dma_start3A_394 = tpu.memref_slice %arg2[%add3A_349] : memref<148456xf32, #tpu.memory_space<hbm>> -> memref<320xf32, #tpu.memory_space<hbm>>
        %dma_start3A_395 = tpu.memref_slice %arg12[%mul3A_392] : memref<8192xf32, #tpu.memory_space<vmem>> -> memref<320xf32, #tpu.memory_space<vmem>>
        %dma_start3A_396 = tpu.memref_slice %arg2[%add3A_349] : memref<148456xf32, #tpu.memory_space<hbm>> -> memref<320xf32, #tpu.memory_space<hbm>>
        tpu.enqueue_dma source(%dma_start3A_396 : memref<320xf32, #tpu.memory_space<hbm>>) target(%dma_start3A_395 : memref<320xf32, #tpu.memory_space<vmem>>) target_semaphore(%arg14 : memref<!tpu.dma_semaphore, #tpu.memory_space<semaphore_mem>>)
      } else {
      }
      %eq3A_375 = arith.constant 5 : i32
      %eq3A_376 = arith.cmpi eq, %rem3A_334, %eq3A_375 : i32
      %convert_element_type3A_377 = arith.extui %eq3A_376 : i1 to i32
      %cond3A_378 = arith.constant 0 : i32
      %cond3A_379 = arith.cmpi ne, %convert_element_type3A_377, %cond3A_378 : i32
      scf.if %cond3A_379 {
        %mul3A_391 = arith.constant 512 : i32
        %mul3A_392 = arith.muli %scan3A_323, %mul3A_391 : i32
        %dma_start3A_393 = tpu.memref_slice %arg12[%mul3A_392] : memref<8192xf32, #tpu.memory_space<vmem>> -> memref<384xf32, #tpu.memory_space<vmem>>
        %dma_start3A_394 = tpu.memref_slice %arg2[%add3A_349] : memref<148456xf32, #tpu.memory_space<hbm>> -> memref<384xf32, #tpu.memory_space<hbm>>
        %dma_start3A_395 = tpu.memref_slice %arg12[%mul3A_392] : memref<8192xf32, #tpu.memory_space<vmem>> -> memref<384xf32, #tpu.memory_space<vmem>>
        %dma_start3A_396 = tpu.memref_slice %arg2[%add3A_349] : memref<148456xf32, #tpu.memory_space<hbm>> -> memref<384xf32, #tpu.memory_space<hbm>>
        tpu.enqueue_dma source(%dma_start3A_396 : memref<384xf32, #tpu.memory_space<hbm>>) target(%dma_start3A_395 : memref<384xf32, #tpu.memory_space<vmem>>) target_semaphore(%arg14 : memref<!tpu.dma_semaphore, #tpu.memory_space<semaphore_mem>>)
      } else {
      }
      %eq3A_380 = arith.constant 6 : i32
      %eq3A_381 = arith.cmpi eq, %rem3A_334, %eq3A_380 : i32
      %convert_element_type3A_382 = arith.extui %eq3A_381 : i1 to i32
      %cond3A_383 = arith.constant 0 : i32
      %cond3A_384 = arith.cmpi ne, %convert_element_type3A_382, %cond3A_383 : i32
      scf.if %cond3A_384 {
        %mul3A_391 = arith.constant 512 : i32
        %mul3A_392 = arith.muli %scan3A_323, %mul3A_391 : i32
        %dma_start3A_393 = tpu.memref_slice %arg12[%mul3A_392] : memref<8192xf32, #tpu.memory_space<vmem>> -> memref<448xf32, #tpu.memory_space<vmem>>
        %dma_start3A_394 = tpu.memref_slice %arg2[%add3A_349] : memref<148456xf32, #tpu.memory_space<hbm>> -> memref<448xf32, #tpu.memory_space<hbm>>
        %dma_start3A_395 = tpu.memref_slice %arg12[%mul3A_392] : memref<8192xf32, #tpu.memory_space<vmem>> -> memref<448xf32, #tpu.memory_space<vmem>>
        %dma_start3A_396 = tpu.memref_slice %arg2[%add3A_349] : memref<148456xf32, #tpu.memory_space<hbm>> -> memref<448xf32, #tpu.memory_space<hbm>>
        tpu.enqueue_dma source(%dma_start3A_396 : memref<448xf32, #tpu.memory_space<hbm>>) target(%dma_start3A_395 : memref<448xf32, #tpu.memory_space<vmem>>) target_semaphore(%arg14 : memref<!tpu.dma_semaphore, #tpu.memory_space<semaphore_mem>>)
      } else {
      }
      %eq3A_385 = arith.constant 7 : i32
      %eq3A_386 = arith.cmpi eq, %rem3A_334, %eq3A_385 : i32
      %convert_element_type3A_387 = arith.extui %eq3A_386 : i1 to i32
      %cond3A_388 = arith.constant 0 : i32
      %cond3A_389 = arith.cmpi ne, %convert_element_type3A_387, %cond3A_388 : i32
      scf.if %cond3A_389 {
        %mul3A_391 = arith.constant 512 : i32
        %mul3A_392 = arith.muli %scan3A_323, %mul3A_391 : i32
        %dma_start3A_393 = tpu.memref_slice %arg12[%mul3A_392] : memref<8192xf32, #tpu.memory_space<vmem>> -> memref<512xf32, #tpu.memory_space<vmem>>
        %dma_start3A_394 = tpu.memref_slice %arg2[%add3A_349] : memref<148456xf32, #tpu.memory_space<hbm>> -> memref<512xf32, #tpu.memory_space<hbm>>
        %dma_start3A_395 = tpu.memref_slice %arg12[%mul3A_392] : memref<8192xf32, #tpu.memory_space<vmem>> -> memref<512xf32, #tpu.memory_space<vmem>>
        %dma_start3A_396 = tpu.memref_slice %arg2[%add3A_349] : memref<148456xf32, #tpu.memory_space<hbm>> -> memref<512xf32, #tpu.memory_space<hbm>>
        tpu.enqueue_dma source(%dma_start3A_396 : memref<512xf32, #tpu.memory_space<hbm>>) target(%dma_start3A_395 : memref<512xf32, #tpu.memory_space<vmem>>) target_semaphore(%arg14 : memref<!tpu.dma_semaphore, #tpu.memory_space<semaphore_mem>>)
      } else {
      }
      %scan3A_390 = arith.constant 0 : i32
      scf.yield %scan3A_390 : i32
    }
    %scan3A_7 = arith.constant 8 : i32
    %scan3A_8 = arith.constant 0 : i32
    %scan3A_9 = arith.constant 8 : i32
    %scan3A_10 = arith.constant 8 : i32
    %scan3A_11 = arith.addi %scan3A_9, %scan3A_10 : i32
    %scan3A_12 = arith.constant 1 : i32
    %scan3A_13 = scf.for %scan3A_323 = %scan3A_9 to %scan3A_11 step %scan3A_12 iter_args(%scan3A_324 = %scan3A_8) -> (i32)  : i32 {
      %rem3A = arith.constant 2 : i32
      %rem3A_325 = arith.remsi %scan3A_323, %rem3A : i32
      %div3A = arith.constant 2 : i32
      %div3A_326 = arith.divsi %scan3A_323, %div3A : i32
      %mul3A_327 = arith.constant 2 : i32
      %mul3A_328 = arith.muli %mul3A_327, %add3A : i32
      %sub3A_329 = arith.constant 63 : i32
      %sub3A_330 = arith.subi %sub3A_329, %mul3A_328 : i32
      %mul3A_331 = arith.muli %rem3A_325, %sub3A_330 : i32
      %add3A_332 = arith.addi %add3A, %mul3A_331 : i32
      %rem3A_333 = arith.constant 8 : i32
      %rem3A_334 = arith.remsi %add3A_332, %rem3A_333 : i32
      %div3A_335 = arith.constant 8 : i32
      %div3A_336 = arith.divsi %add3A_332, %div3A_335 : i32
      %mul3A_337 = arith.constant 18432 : i32
      %mul3A_338 = arith.muli %div3A_326, %mul3A_337 : i32
      %add3A_339 = arith.constant 1000 : i32
      %add3A_340 = arith.addi %add3A_339, %mul3A_338 : i32
      %mul3A_341 = arith.constant 2304 : i32
      %mul3A_342 = arith.muli %div3A_336, %mul3A_341 : i32
      %add3A_343 = arith.addi %add3A_340, %mul3A_342 : i32
      %mul3A_344 = arith.constant 32 : i32
      %mul3A_345 = arith.muli %mul3A_344, %rem3A_334 : i32
      %add3A_346 = arith.constant 1 : i32
      %add3A_347 = arith.addi %rem3A_334, %add3A_346 : i32
      %mul3A_348 = arith.muli %mul3A_345, %add3A_347 : i32
      %add3A_349 = arith.addi %add3A_343, %mul3A_348 : i32
      %eq3A_350 = arith.constant 0 : i32
      %eq3A_351 = arith.cmpi eq, %rem3A_334, %eq3A_350 : i32
      %convert_element_type3A_352 = arith.extui %eq3A_351 : i1 to i32
      %cond3A_353 = arith.constant 0 : i32
      %cond3A_354 = arith.cmpi ne, %convert_element_type3A_352, %cond3A_353 : i32
      scf.if %cond3A_354 {
        %mul3A_391 = arith.constant 512 : i32
        %mul3A_392 = arith.muli %scan3A_323, %mul3A_391 : i32
        %dma_start3A_393 = tpu.memref_slice %arg12[%mul3A_392] : memref<8192xf32, #tpu.memory_space<vmem>> -> memref<64xf32, #tpu.memory_space<vmem>>
        %dma_start3A_394 = tpu.memref_slice %arg2[%add3A_349] : memref<148456xf32, #tpu.memory_space<hbm>> -> memref<64xf32, #tpu.memory_space<hbm>>
        %dma_start3A_395 = tpu.memref_slice %arg12[%mul3A_392] : memref<8192xf32, #tpu.memory_space<vmem>> -> memref<64xf32, #tpu.memory_space<vmem>>
        %dma_start3A_396 = tpu.memref_slice %arg2[%add3A_349] : memref<148456xf32, #tpu.memory_space<hbm>> -> memref<64xf32, #tpu.memory_space<hbm>>
        tpu.enqueue_dma source(%dma_start3A_396 : memref<64xf32, #tpu.memory_space<hbm>>) target(%dma_start3A_395 : memref<64xf32, #tpu.memory_space<vmem>>) target_semaphore(%arg17 : memref<!tpu.dma_semaphore, #tpu.memory_space<semaphore_mem>>)
      } else {
      }
      %eq3A_355 = arith.constant 1 : i32
      %eq3A_356 = arith.cmpi eq, %rem3A_334, %eq3A_355 : i32
      %convert_element_type3A_357 = arith.extui %eq3A_356 : i1 to i32
      %cond3A_358 = arith.constant 0 : i32
      %cond3A_359 = arith.cmpi ne, %convert_element_type3A_357, %cond3A_358 : i32
      scf.if %cond3A_359 {
        %mul3A_391 = arith.constant 512 : i32
        %mul3A_392 = arith.muli %scan3A_323, %mul3A_391 : i32
        %dma_start3A_393 = tpu.memref_slice %arg12[%mul3A_392] : memref<8192xf32, #tpu.memory_space<vmem>> -> memref<128xf32, #tpu.memory_space<vmem>>
        %dma_start3A_394 = tpu.memref_slice %arg2[%add3A_349] : memref<148456xf32, #tpu.memory_space<hbm>> -> memref<128xf32, #tpu.memory_space<hbm>>
        %dma_start3A_395 = tpu.memref_slice %arg12[%mul3A_392] : memref<8192xf32, #tpu.memory_space<vmem>> -> memref<128xf32, #tpu.memory_space<vmem>>
        %dma_start3A_396 = tpu.memref_slice %arg2[%add3A_349] : memref<148456xf32, #tpu.memory_space<hbm>> -> memref<128xf32, #tpu.memory_space<hbm>>
        tpu.enqueue_dma source(%dma_start3A_396 : memref<128xf32, #tpu.memory_space<hbm>>) target(%dma_start3A_395 : memref<128xf32, #tpu.memory_space<vmem>>) target_semaphore(%arg17 : memref<!tpu.dma_semaphore, #tpu.memory_space<semaphore_mem>>)
      } else {
      }
      %eq3A_360 = arith.constant 2 : i32
      %eq3A_361 = arith.cmpi eq, %rem3A_334, %eq3A_360 : i32
      %convert_element_type3A_362 = arith.extui %eq3A_361 : i1 to i32
      %cond3A_363 = arith.constant 0 : i32
      %cond3A_364 = arith.cmpi ne, %convert_element_type3A_362, %cond3A_363 : i32
      scf.if %cond3A_364 {
        %mul3A_391 = arith.constant 512 : i32
        %mul3A_392 = arith.muli %scan3A_323, %mul3A_391 : i32
        %dma_start3A_393 = tpu.memref_slice %arg12[%mul3A_392] : memref<8192xf32, #tpu.memory_space<vmem>> -> memref<192xf32, #tpu.memory_space<vmem>>
        %dma_start3A_394 = tpu.memref_slice %arg2[%add3A_349] : memref<148456xf32, #tpu.memory_space<hbm>> -> memref<192xf32, #tpu.memory_space<hbm>>
        %dma_start3A_395 = tpu.memref_slice %arg12[%mul3A_392] : memref<8192xf32, #tpu.memory_space<vmem>> -> memref<192xf32, #tpu.memory_space<vmem>>
        %dma_start3A_396 = tpu.memref_slice %arg2[%add3A_349] : memref<148456xf32, #tpu.memory_space<hbm>> -> memref<192xf32, #tpu.memory_space<hbm>>
        tpu.enqueue_dma source(%dma_start3A_396 : memref<192xf32, #tpu.memory_space<hbm>>) target(%dma_start3A_395 : memref<192xf32, #tpu.memory_space<vmem>>) target_semaphore(%arg17 : memref<!tpu.dma_semaphore, #tpu.memory_space<semaphore_mem>>)
      } else {
      }
      %eq3A_365 = arith.constant 3 : i32
      %eq3A_366 = arith.cmpi eq, %rem3A_334, %eq3A_365 : i32
      %convert_element_type3A_367 = arith.extui %eq3A_366 : i1 to i32
      %cond3A_368 = arith.constant 0 : i32
      %cond3A_369 = arith.cmpi ne, %convert_element_type3A_367, %cond3A_368 : i32
      scf.if %cond3A_369 {
        %mul3A_391 = arith.constant 512 : i32
        %mul3A_392 = arith.muli %scan3A_323, %mul3A_391 : i32
        %dma_start3A_393 = tpu.memref_slice %arg12[%mul3A_392] : memref<8192xf32, #tpu.memory_space<vmem>> -> memref<256xf32, #tpu.memory_space<vmem>>
        %dma_start3A_394 = tpu.memref_slice %arg2[%add3A_349] : memref<148456xf32, #tpu.memory_space<hbm>> -> memref<256xf32, #tpu.memory_space<hbm>>
        %dma_start3A_395 = tpu.memref_slice %arg12[%mul3A_392] : memref<8192xf32, #tpu.memory_space<vmem>> -> memref<256xf32, #tpu.memory_space<vmem>>
        %dma_start3A_396 = tpu.memref_slice %arg2[%add3A_349] : memref<148456xf32, #tpu.memory_space<hbm>> -> memref<256xf32, #tpu.memory_space<hbm>>
        tpu.enqueue_dma source(%dma_start3A_396 : memref<256xf32, #tpu.memory_space<hbm>>) target(%dma_start3A_395 : memref<256xf32, #tpu.memory_space<vmem>>) target_semaphore(%arg17 : memref<!tpu.dma_semaphore, #tpu.memory_space<semaphore_mem>>)
      } else {
      }
      %eq3A_370 = arith.constant 4 : i32
      %eq3A_371 = arith.cmpi eq, %rem3A_334, %eq3A_370 : i32
      %convert_element_type3A_372 = arith.extui %eq3A_371 : i1 to i32
      %cond3A_373 = arith.constant 0 : i32
      %cond3A_374 = arith.cmpi ne, %convert_element_type3A_372, %cond3A_373 : i32
      scf.if %cond3A_374 {
        %mul3A_391 = arith.constant 512 : i32
        %mul3A_392 = arith.muli %scan3A_323, %mul3A_391 : i32
        %dma_start3A_393 = tpu.memref_slice %arg12[%mul3A_392] : memref<8192xf32, #tpu.memory_space<vmem>> -> memref<320xf32, #tpu.memory_space<vmem>>
        %dma_start3A_394 = tpu.memref_slice %arg2[%add3A_349] : memref<148456xf32, #tpu.memory_space<hbm>> -> memref<320xf32, #tpu.memory_space<hbm>>
        %dma_start3A_395 = tpu.memref_slice %arg12[%mul3A_392] : memref<8192xf32, #tpu.memory_space<vmem>> -> memref<320xf32, #tpu.memory_space<vmem>>
        %dma_start3A_396 = tpu.memref_slice %arg2[%add3A_349] : memref<148456xf32, #tpu.memory_space<hbm>> -> memref<320xf32, #tpu.memory_space<hbm>>
        tpu.enqueue_dma source(%dma_start3A_396 : memref<320xf32, #tpu.memory_space<hbm>>) target(%dma_start3A_395 : memref<320xf32, #tpu.memory_space<vmem>>) target_semaphore(%arg17 : memref<!tpu.dma_semaphore, #tpu.memory_space<semaphore_mem>>)
      } else {
      }
      %eq3A_375 = arith.constant 5 : i32
      %eq3A_376 = arith.cmpi eq, %rem3A_334, %eq3A_375 : i32
      %convert_element_type3A_377 = arith.extui %eq3A_376 : i1 to i32
      %cond3A_378 = arith.constant 0 : i32
      %cond3A_379 = arith.cmpi ne, %convert_element_type3A_377, %cond3A_378 : i32
      scf.if %cond3A_379 {
        %mul3A_391 = arith.constant 512 : i32
        %mul3A_392 = arith.muli %scan3A_323, %mul3A_391 : i32
        %dma_start3A_393 = tpu.memref_slice %arg12[%mul3A_392] : memref<8192xf32, #tpu.memory_space<vmem>> -> memref<384xf32, #tpu.memory_space<vmem>>
        %dma_start3A_394 = tpu.memref_slice %arg2[%add3A_349] : memref<148456xf32, #tpu.memory_space<hbm>> -> memref<384xf32, #tpu.memory_space<hbm>>
        %dma_start3A_395 = tpu.memref_slice %arg12[%mul3A_392] : memref<8192xf32, #tpu.memory_space<vmem>> -> memref<384xf32, #tpu.memory_space<vmem>>
        %dma_start3A_396 = tpu.memref_slice %arg2[%add3A_349] : memref<148456xf32, #tpu.memory_space<hbm>> -> memref<384xf32, #tpu.memory_space<hbm>>
        tpu.enqueue_dma source(%dma_start3A_396 : memref<384xf32, #tpu.memory_space<hbm>>) target(%dma_start3A_395 : memref<384xf32, #tpu.memory_space<vmem>>) target_semaphore(%arg17 : memref<!tpu.dma_semaphore, #tpu.memory_space<semaphore_mem>>)
      } else {
      }
      %eq3A_380 = arith.constant 6 : i32
      %eq3A_381 = arith.cmpi eq, %rem3A_334, %eq3A_380 : i32
      %convert_element_type3A_382 = arith.extui %eq3A_381 : i1 to i32
      %cond3A_383 = arith.constant 0 : i32
      %cond3A_384 = arith.cmpi ne, %convert_element_type3A_382, %cond3A_383 : i32
      scf.if %cond3A_384 {
        %mul3A_391 = arith.constant 512 : i32
        %mul3A_392 = arith.muli %scan3A_323, %mul3A_391 : i32
        %dma_start3A_393 = tpu.memref_slice %arg12[%mul3A_392] : memref<8192xf32, #tpu.memory_space<vmem>> -> memref<448xf32, #tpu.memory_space<vmem>>
        %dma_start3A_394 = tpu.memref_slice %arg2[%add3A_349] : memref<148456xf32, #tpu.memory_space<hbm>> -> memref<448xf32, #tpu.memory_space<hbm>>
        %dma_start3A_395 = tpu.memref_slice %arg12[%mul3A_392] : memref<8192xf32, #tpu.memory_space<vmem>> -> memref<448xf32, #tpu.memory_space<vmem>>
        %dma_start3A_396 = tpu.memref_slice %arg2[%add3A_349] : memref<148456xf32, #tpu.memory_space<hbm>> -> memref<448xf32, #tpu.memory_space<hbm>>
        tpu.enqueue_dma source(%dma_start3A_396 : memref<448xf32, #tpu.memory_space<hbm>>) target(%dma_start3A_395 : memref<448xf32, #tpu.memory_space<vmem>>) target_semaphore(%arg17 : memref<!tpu.dma_semaphore, #tpu.memory_space<semaphore_mem>>)
      } else {
      }
      %eq3A_385 = arith.constant 7 : i32
      %eq3A_386 = arith.cmpi eq, %rem3A_334, %eq3A_385 : i32
      %convert_element_type3A_387 = arith.extui %eq3A_386 : i1 to i32
      %cond3A_388 = arith.constant 0 : i32
      %cond3A_389 = arith.cmpi ne, %convert_element_type3A_387, %cond3A_388 : i32
      scf.if %cond3A_389 {
        %mul3A_391 = arith.constant 512 : i32
        %mul3A_392 = arith.muli %scan3A_323, %mul3A_391 : i32
        %dma_start3A_393 = tpu.memref_slice %arg12[%mul3A_392] : memref<8192xf32, #tpu.memory_space<vmem>> -> memref<512xf32, #tpu.memory_space<vmem>>
        %dma_start3A_394 = tpu.memref_slice %arg2[%add3A_349] : memref<148456xf32, #tpu.memory_space<hbm>> -> memref<512xf32, #tpu.memory_space<hbm>>
        %dma_start3A_395 = tpu.memref_slice %arg12[%mul3A_392] : memref<8192xf32, #tpu.memory_space<vmem>> -> memref<512xf32, #tpu.memory_space<vmem>>
        %dma_start3A_396 = tpu.memref_slice %arg2[%add3A_349] : memref<148456xf32, #tpu.memory_space<hbm>> -> memref<512xf32, #tpu.memory_space<hbm>>
        tpu.enqueue_dma source(%dma_start3A_396 : memref<512xf32, #tpu.memory_space<hbm>>) target(%dma_start3A_395 : memref<512xf32, #tpu.memory_space<vmem>>) target_semaphore(%arg17 : memref<!tpu.dma_semaphore, #tpu.memory_space<semaphore_mem>>)
      } else {
      }
      %scan3A_390 = arith.constant 0 : i32
      scf.yield %scan3A_390 : i32
    }
    %scan3A_14 = arith.constant 8 : i32
    %eq3A = arith.constant 0 : i32
    %eq3A_15 = arith.cmpi eq, %add3A, %eq3A : i32
    %convert_element_type3A = arith.extui %eq3A_15 : i1 to i32
    %cond3A = arith.constant 0 : i32
    %cond3A_16 = arith.cmpi ne, %convert_element_type3A, %cond3A : i32
    scf.if %cond3A_16 {
      %dma_start3A_323 = arith.constant 0 : i32
      %dma_start3A_324 = tpu.memref_slice %arg2[%dma_start3A_323] : memref<148456xf32, #tpu.memory_space<hbm>> -> memref<1000xf32, #tpu.memory_space<hbm>>
      %dma_start3A_325 = arith.constant 0 : i32
      %dma_start3A_326 = tpu.memref_slice %arg2[%dma_start3A_325] : memref<148456xf32, #tpu.memory_space<hbm>> -> memref<1000xf32, #tpu.memory_space<hbm>>
      tpu.enqueue_dma source(%dma_start3A_326 : memref<1000xf32, #tpu.memory_space<hbm>>) target(%arg13 : memref<1000xf32, #tpu.memory_space<vmem>>) target_semaphore(%arg16 : memref<!tpu.dma_semaphore, #tpu.memory_space<semaphore_mem>>)
    } else {
    }
    %scan3A_17 = arith.constant 0 : i32
    %scan3A_18 = arith.constant 0 : i32
    %scan3A_19 = arith.constant 16 : i32
    %scan3A_20 = arith.addi %scan3A_18, %scan3A_19 : i32
    %scan3A_21 = arith.constant 1 : i32
    %scan3A_22 = scf.for %scan3A_323 = %scan3A_18 to %scan3A_20 step %scan3A_21 iter_args(%scan3A_324 = %scan3A_17) -> (i32)  : i32 {
      %rem3A = arith.constant 2 : i32
      %rem3A_325 = arith.remsi %scan3A_323, %rem3A : i32
      %mul3A_326 = arith.constant 2 : i32
      %mul3A_327 = arith.muli %mul3A_326, %add3A : i32
      %sub3A_328 = arith.constant 63 : i32
      %sub3A_329 = arith.subi %sub3A_328, %mul3A_327 : i32
      %mul3A_330 = arith.muli %rem3A_325, %sub3A_329 : i32
      %add3A_331 = arith.addi %add3A, %mul3A_330 : i32
      %rem3A_332 = arith.constant 8 : i32
      %rem3A_333 = arith.remsi %add3A_331, %rem3A_332 : i32
      %mul3A_334 = arith.constant 512 : i32
      %mul3A_335 = arith.muli %scan3A_323, %mul3A_334 : i32
      %add3A_336 = arith.constant 1 : i32
      %add3A_337 = arith.addi %rem3A_333, %add3A_336 : i32
      %while3A = arith.constant 8 : i32
      %while3A_338 = arith.constant 0 : i32
      %while3A_339 = arith.subi %while3A, %add3A_337 : i32
      %while3A_340 = arith.addi %add3A_337, %while3A_339 : i32
      %while3A_341 = arith.constant 1 : i32
      %while3A_342 = arith.divsi %while3A_339, %while3A_341 : i32
      %while3A_343 = arith.muli %while3A_342, %while3A_341 : i32
      %while3A_344 = arith.addi %add3A_337, %while3A_343 : i32
      %while3A_345 = arith.constant 1 : i32
      %while3A_346 = scf.for %while3A_350 = %add3A_337 to %while3A_344 step %while3A_345 iter_args(%while3A_351 = %while3A_338) -> (i32)  : i32 {
        %mul3A_352 = arith.constant 64 : i32
        %mul3A_353 = arith.muli %while3A_350, %mul3A_352 : i32
        %add3A_354 = arith.addi %mul3A_335, %mul3A_353 : i32
        %add3A_355 = arith.constant 0 : i32
        %add3A_356 = arith.addi %add3A_354, %add3A_355 : i32
        %swap3A = arith.index_cast %add3A_356 : i32 to index
        %swap3A_357 = tpu.vector_load %arg12[%swap3A] {strides = array<i32>} : memref<8192xf32, #tpu.memory_space<vmem>>, vector<16xf32>,
        %swap3A_358 = vector.shape_cast %swap3A_357 : vector<16xf32> to vector<16xf32>
        %swap3A_359 = vector.shape_cast %broadcast_in_dim3A_1 : vector<16xf32> to vector<16xf32>
        tpu.vector_store %arg12[%swap3A], %swap3A_359 {strides = array<i32>} : memref<8192xf32, #tpu.memory_space<vmem>>, vector<16xf32>,
        %mul3A_360 = arith.constant 64 : i32
        %mul3A_361 = arith.muli %while3A_350, %mul3A_360 : i32
        %add3A_362 = arith.addi %mul3A_335, %mul3A_361 : i32
        %add3A_363 = arith.constant 16 : i32
        %add3A_364 = arith.addi %add3A_362, %add3A_363 : i32
        %swap3A_365 = arith.index_cast %add3A_364 : i32 to index
        %swap3A_366 = tpu.vector_load %arg12[%swap3A_365] {strides = array<i32>} : memref<8192xf32, #tpu.memory_space<vmem>>, vector<16xf32>,
        %swap3A_367 = vector.shape_cast %swap3A_366 : vector<16xf32> to vector<16xf32>
        %swap3A_368 = vector.shape_cast %broadcast_in_dim3A_1 : vector<16xf32> to vector<16xf32>
        tpu.vector_store %arg12[%swap3A_365], %swap3A_368 {strides = array<i32>} : memref<8192xf32, #tpu.memory_space<vmem>>, vector<16xf32>,
        %mul3A_369 = arith.constant 64 : i32
        %mul3A_370 = arith.muli %while3A_350, %mul3A_369 : i32
        %add3A_371 = arith.addi %mul3A_335, %mul3A_370 : i32
        %add3A_372 = arith.constant 32 : i32
        %add3A_373 = arith.addi %add3A_371, %add3A_372 : i32
        %swap3A_374 = arith.index_cast %add3A_373 : i32 to index
        %swap3A_375 = tpu.vector_load %arg12[%swap3A_374] {strides = array<i32>} : memref<8192xf32, #tpu.memory_space<vmem>>, vector<16xf32>,
        %swap3A_376 = vector.shape_cast %swap3A_375 : vector<16xf32> to vector<16xf32>
        %swap3A_377 = vector.shape_cast %broadcast_in_dim3A_1 : vector<16xf32> to vector<16xf32>
        tpu.vector_store %arg12[%swap3A_374], %swap3A_377 {strides = array<i32>} : memref<8192xf32, #tpu.memory_space<vmem>>, vector<16xf32>,
        %mul3A_378 = arith.constant 64 : i32
        %mul3A_379 = arith.muli %while3A_350, %mul3A_378 : i32
        %add3A_380 = arith.addi %mul3A_335, %mul3A_379 : i32
        %add3A_381 = arith.constant 48 : i32
        %add3A_382 = arith.addi %add3A_380, %add3A_381 : i32
        %swap3A_383 = arith.index_cast %add3A_382 : i32 to index
        %swap3A_384 = tpu.vector_load %arg12[%swap3A_383] {strides = array<i32>} : memref<8192xf32, #tpu.memory_space<vmem>>, vector<16xf32>,
        %swap3A_385 = vector.shape_cast %swap3A_384 : vector<16xf32> to vector<16xf32>
        %swap3A_386 = vector.shape_cast %broadcast_in_dim3A_1 : vector<16xf32> to vector<16xf32>
        tpu.vector_store %arg12[%swap3A_383], %swap3A_386 {strides = array<i32>} : memref<8192xf32, #tpu.memory_space<vmem>>, vector<16xf32>,
        %while3A_387 = arith.constant 0 : i32
        scf.yield %while3A_387 : i32
      }
      %while3A_347 = arith.constant 1 : i32
      %while3A_348 = scf.for %while3A_350 = %while3A_344 to %while3A_340 step %while3A_347 iter_args(%while3A_351 = %while3A_346) -> (i32)  : i32 {
        %mul3A_352 = arith.constant 64 : i32
        %mul3A_353 = arith.muli %while3A_350, %mul3A_352 : i32
        %add3A_354 = arith.addi %mul3A_335, %mul3A_353 : i32
        %add3A_355 = arith.constant 0 : i32
        %add3A_356 = arith.addi %add3A_354, %add3A_355 : i32
        %swap3A = arith.index_cast %add3A_356 : i32 to index
        %swap3A_357 = tpu.vector_load %arg12[%swap3A] {strides = array<i32>} : memref<8192xf32, #tpu.memory_space<vmem>>, vector<16xf32>,
        %swap3A_358 = vector.shape_cast %swap3A_357 : vector<16xf32> to vector<16xf32>
        %swap3A_359 = vector.shape_cast %broadcast_in_dim3A_1 : vector<16xf32> to vector<16xf32>
        tpu.vector_store %arg12[%swap3A], %swap3A_359 {strides = array<i32>} : memref<8192xf32, #tpu.memory_space<vmem>>, vector<16xf32>,
        %mul3A_360 = arith.constant 64 : i32
        %mul3A_361 = arith.muli %while3A_350, %mul3A_360 : i32
        %add3A_362 = arith.addi %mul3A_335, %mul3A_361 : i32
        %add3A_363 = arith.constant 16 : i32
        %add3A_364 = arith.addi %add3A_362, %add3A_363 : i32
        %swap3A_365 = arith.index_cast %add3A_364 : i32 to index
        %swap3A_366 = tpu.vector_load %arg12[%swap3A_365] {strides = array<i32>} : memref<8192xf32, #tpu.memory_space<vmem>>, vector<16xf32>,
        %swap3A_367 = vector.shape_cast %swap3A_366 : vector<16xf32> to vector<16xf32>
        %swap3A_368 = vector.shape_cast %broadcast_in_dim3A_1 : vector<16xf32> to vector<16xf32>
        tpu.vector_store %arg12[%swap3A_365], %swap3A_368 {strides = array<i32>} : memref<8192xf32, #tpu.memory_space<vmem>>, vector<16xf32>,
        %mul3A_369 = arith.constant 64 : i32
        %mul3A_370 = arith.muli %while3A_350, %mul3A_369 : i32
        %add3A_371 = arith.addi %mul3A_335, %mul3A_370 : i32
        %add3A_372 = arith.constant 32 : i32
        %add3A_373 = arith.addi %add3A_371, %add3A_372 : i32
        %swap3A_374 = arith.index_cast %add3A_373 : i32 to index
        %swap3A_375 = tpu.vector_load %arg12[%swap3A_374] {strides = array<i32>} : memref<8192xf32, #tpu.memory_space<vmem>>, vector<16xf32>,
        %swap3A_376 = vector.shape_cast %swap3A_375 : vector<16xf32> to vector<16xf32>
        %swap3A_377 = vector.shape_cast %broadcast_in_dim3A_1 : vector<16xf32> to vector<16xf32>
        tpu.vector_store %arg12[%swap3A_374], %swap3A_377 {strides = array<i32>} : memref<8192xf32, #tpu.memory_space<vmem>>, vector<16xf32>,
        %mul3A_378 = arith.constant 64 : i32
        %mul3A_379 = arith.muli %while3A_350, %mul3A_378 : i32
        %add3A_380 = arith.addi %mul3A_335, %mul3A_379 : i32
        %add3A_381 = arith.constant 48 : i32
        %add3A_382 = arith.addi %add3A_380, %add3A_381 : i32
        %swap3A_383 = arith.index_cast %add3A_382 : i32 to index
        %swap3A_384 = tpu.vector_load %arg12[%swap3A_383] {strides = array<i32>} : memref<8192xf32, #tpu.memory_space<vmem>>, vector<16xf32>,
        %swap3A_385 = vector.shape_cast %swap3A_384 : vector<16xf32> to vector<16xf32>
        %swap3A_386 = vector.shape_cast %broadcast_in_dim3A_1 : vector<16xf32> to vector<16xf32>
        tpu.vector_store %arg12[%swap3A_383], %swap3A_386 {strides = array<i32>} : memref<8192xf32, #tpu.memory_space<vmem>>, vector<16xf32>,
        %while3A_387 = arith.constant 0 : i32
        scf.yield %while3A_387 : i32
      }
      %scan3A_349 = arith.constant 0 : i32
      scf.yield %scan3A_349 : i32
    }
    %scan3A_23 = arith.constant 16 : i32
    %dma_wait3A = arith.constant 0 : i32
    %dma_wait3A_24 = tpu.memref_slice %arg12[%dma_wait3A] : memref<8192xf32, #tpu.memory_space<vmem>> -> memref<2304xf32, #tpu.memory_space<vmem>>
    %dma_wait3A_25 = arith.constant 0 : i32
    %dma_wait3A_26 = tpu.memref_slice %arg2[%dma_wait3A_25] : memref<148456xf32, #tpu.memory_space<hbm>> -> memref<2304xf32, #tpu.memory_space<hbm>>
    %dma_wait3A_27 = arith.constant 0 : i32
    %dma_wait3A_28 = tpu.memref_slice %arg12[%dma_wait3A_27] : memref<8192xf32, #tpu.memory_space<vmem>> -> memref<2304xf32, #tpu.memory_space<vmem>>
    %dma_wait3A_29 = arith.constant 0 : i32
    %dma_wait3A_30 = tpu.memref_slice %arg2[%dma_wait3A_29] : memref<148456xf32, #tpu.memory_space<hbm>> -> memref<2304xf32, #tpu.memory_space<hbm>>
    tpu.wait_dma2 semaphore(%arg14 : memref<!tpu.dma_semaphore, #tpu.memory_space<semaphore_mem>>) src(%dma_wait3A_30 : memref<2304xf32, #tpu.memory_space<hbm>>) dst(%dma_wait3A_28 : memref<2304xf32, #tpu.memory_space<vmem>>)
    %eq3A_31 = arith.constant 0 : i32
    %eq3A_32 = arith.cmpi eq, %add3A, %eq3A_31 : i32
    %convert_element_type3A_33 = arith.extui %eq3A_32 : i1 to i32
    %cond3A_34 = arith.constant 0 : i32
    %cond3A_35 = arith.cmpi ne, %convert_element_type3A_33, %cond3A_34 : i32
    scf.if %cond3A_35 {
      %dma_wait3A_323 = arith.constant 0 : i32
      %dma_wait3A_324 = tpu.memref_slice %arg2[%dma_wait3A_323] : memref<148456xf32, #tpu.memory_space<hbm>> -> memref<1000xf32, #tpu.memory_space<hbm>>
      %dma_wait3A_325 = arith.constant 0 : i32
      %dma_wait3A_326 = tpu.memref_slice %arg2[%dma_wait3A_325] : memref<148456xf32, #tpu.memory_space<hbm>> -> memref<1000xf32, #tpu.memory_space<hbm>>
      tpu.wait_dma2 semaphore(%arg16 : memref<!tpu.dma_semaphore, #tpu.memory_space<semaphore_mem>>) src(%dma_wait3A_326 : memref<1000xf32, #tpu.memory_space<hbm>>) dst(%arg13 : memref<1000xf32, #tpu.memory_space<vmem>>)
      %dma_start3A_327 = arith.constant 0 : i32
      %dma_start3A_328 = arith.constant 0 : i32
      %dma_start3A_329 = tpu.memref_slice %arg3[%dma_start3A_327, %dma_start3A_328] : memref<1x1000xf32, #tpu.memory_space<hbm>> -> memref<1x1000xf32, #tpu.memory_space<hbm>>
      %dma_start3A_330 = tpu.memref_squeeze %dma_start3A_329 : memref<1x1000xf32, #tpu.memory_space<hbm>> -> memref<1000xf32, #tpu.memory_space<hbm>>
      %dma_start3A_331 = arith.constant 0 : i32
      %dma_start3A_332 = tpu.memref_slice %arg3[%dma_start3A_327, %dma_start3A_331] : memref<1x1000xf32, #tpu.memory_space<hbm>> -> memref<1x1000xf32, #tpu.memory_space<hbm>>
      %dma_start3A_333 = tpu.memref_squeeze %dma_start3A_332 : memref<1x1000xf32, #tpu.memory_space<hbm>> -> memref<1000xf32, #tpu.memory_space<hbm>>
      tpu.enqueue_dma source(%arg13 : memref<1000xf32, #tpu.memory_space<vmem>>) target(%dma_start3A_333 : memref<1000xf32, #tpu.memory_space<hbm>>) target_semaphore(%arg16 : memref<!tpu.dma_semaphore, #tpu.memory_space<semaphore_mem>>)
    } else {
    }
    %mul3A_36 = arith.constant 2 : i32
    %mul3A_37 = arith.muli %mul3A_36, %add3A : i32
    %sub3A = arith.constant 63 : i32
    %sub3A_38 = arith.subi %sub3A, %mul3A_37 : i32
    %mul3A_39 = arith.constant 0 : i32
    %mul3A_40 = arith.muli %mul3A_39, %sub3A_38 : i32
    %add3A_41 = arith.addi %add3A, %mul3A_40 : i32
    %dma_start3A = arith.constant 0 : i32
    %dma_start3A_42 = tpu.memref_slice %arg12[%dma_start3A] : memref<8192xf32, #tpu.memory_space<vmem>> -> memref<512xf32, #tpu.memory_space<vmem>>
    %dma_start3A_43 = arith.constant 0 : i32
    %dma_start3A_44 = tpu.memref_slice %arg4[%add3A_41, %dma_start3A_43] : memref<64x512xf32, #tpu.memory_space<hbm>> -> memref<1x512xf32, #tpu.memory_space<hbm>>
    %dma_start3A_45 = tpu.memref_squeeze %dma_start3A_44 : memref<1x512xf32, #tpu.memory_space<hbm>> -> memref<512xf32, #tpu.memory_space<hbm>>
    %dma_start3A_46 = arith.constant 0 : i32
    %dma_start3A_47 = tpu.memref_slice %arg4[%add3A_41, %dma_start3A_46] : memref<64x512xf32, #tpu.memory_space<hbm>> -> memref<1x512xf32, #tpu.memory_space<hbm>>
    %dma_start3A_48 = tpu.memref_squeeze %dma_start3A_47 : memref<1x512xf32, #tpu.memory_space<hbm>> -> memref<512xf32, #tpu.memory_space<hbm>>
    %dma_start3A_49 = arith.constant 0 : i32
    %dma_start3A_50 = tpu.memref_slice %arg12[%dma_start3A_49] : memref<8192xf32, #tpu.memory_space<vmem>> -> memref<512xf32, #tpu.memory_space<vmem>>
    tpu.enqueue_dma source(%dma_start3A_50 : memref<512xf32, #tpu.memory_space<vmem>>) target(%dma_start3A_48 : memref<512xf32, #tpu.memory_space<hbm>>) target_semaphore(%arg15 : memref<!tpu.dma_semaphore, #tpu.memory_space<semaphore_mem>>)
    %mul3A_51 = arith.constant 2 : i32
    %mul3A_52 = arith.muli %mul3A_51, %add3A : i32
    %sub3A_53 = arith.constant 63 : i32
    %sub3A_54 = arith.subi %sub3A_53, %mul3A_52 : i32
    %mul3A_55 = arith.constant 1 : i32
    %mul3A_56 = arith.muli %mul3A_55, %sub3A_54 : i32
    %add3A_57 = arith.addi %add3A, %mul3A_56 : i32
    %dma_start3A_58 = arith.constant 512 : i32
    %dma_start3A_59 = tpu.memref_slice %arg12[%dma_start3A_58] : memref<8192xf32, #tpu.memory_space<vmem>> -> memref<512xf32, #tpu.memory_space<vmem>>
    %dma_start3A_60 = arith.constant 0 : i32
    %dma_start3A_61 = tpu.memref_slice %arg4[%add3A_57, %dma_start3A_60] : memref<64x512xf32, #tpu.memory_space<hbm>> -> memref<1x512xf32, #tpu.memory_space<hbm>>
    %dma_start3A_62 = tpu.memref_squeeze %dma_start3A_61 : memref<1x512xf32, #tpu.memory_space<hbm>> -> memref<512xf32, #tpu.memory_space<hbm>>
    %dma_start3A_63 = arith.constant 0 : i32
    %dma_start3A_64 = tpu.memref_slice %arg4[%add3A_57, %dma_start3A_63] : memref<64x512xf32, #tpu.memory_space<hbm>> -> memref<1x512xf32, #tpu.memory_space<hbm>>
    %dma_start3A_65 = tpu.memref_squeeze %dma_start3A_64 : memref<1x512xf32, #tpu.memory_space<hbm>> -> memref<512xf32, #tpu.memory_space<hbm>>
    %dma_start3A_66 = arith.constant 512 : i32
    %dma_start3A_67 = tpu.memref_slice %arg12[%dma_start3A_66] : memref<8192xf32, #tpu.memory_space<vmem>> -> memref<512xf32, #tpu.memory_space<vmem>>
    tpu.enqueue_dma source(%dma_start3A_67 : memref<512xf32, #tpu.memory_space<vmem>>) target(%dma_start3A_65 : memref<512xf32, #tpu.memory_space<hbm>>) target_semaphore(%arg15 : memref<!tpu.dma_semaphore, #tpu.memory_space<semaphore_mem>>)
    %mul3A_68 = arith.constant 2 : i32
    %mul3A_69 = arith.muli %mul3A_68, %add3A : i32
    %sub3A_70 = arith.constant 63 : i32
    %sub3A_71 = arith.subi %sub3A_70, %mul3A_69 : i32
    %mul3A_72 = arith.constant 0 : i32
    %mul3A_73 = arith.muli %mul3A_72, %sub3A_71 : i32
    %add3A_74 = arith.addi %add3A, %mul3A_73 : i32
    %dma_start3A_75 = arith.constant 1024 : i32
    %dma_start3A_76 = tpu.memref_slice %arg12[%dma_start3A_75] : memref<8192xf32, #tpu.memory_space<vmem>> -> memref<512xf32, #tpu.memory_space<vmem>>
    %dma_start3A_77 = arith.constant 0 : i32
    %dma_start3A_78 = tpu.memref_slice %arg5[%add3A_74, %dma_start3A_77] : memref<64x512xf32, #tpu.memory_space<hbm>> -> memref<1x512xf32, #tpu.memory_space<hbm>>
    %dma_start3A_79 = tpu.memref_squeeze %dma_start3A_78 : memref<1x512xf32, #tpu.memory_space<hbm>> -> memref<512xf32, #tpu.memory_space<hbm>>
    %dma_start3A_80 = arith.constant 0 : i32
    %dma_start3A_81 = tpu.memref_slice %arg5[%add3A_74, %dma_start3A_80] : memref<64x512xf32, #tpu.memory_space<hbm>> -> memref<1x512xf32, #tpu.memory_space<hbm>>
    %dma_start3A_82 = tpu.memref_squeeze %dma_start3A_81 : memref<1x512xf32, #tpu.memory_space<hbm>> -> memref<512xf32, #tpu.memory_space<hbm>>
    %dma_start3A_83 = arith.constant 1024 : i32
    %dma_start3A_84 = tpu.memref_slice %arg12[%dma_start3A_83] : memref<8192xf32, #tpu.memory_space<vmem>> -> memref<512xf32, #tpu.memory_space<vmem>>
    tpu.enqueue_dma source(%dma_start3A_84 : memref<512xf32, #tpu.memory_space<vmem>>) target(%dma_start3A_82 : memref<512xf32, #tpu.memory_space<hbm>>) target_semaphore(%arg15 : memref<!tpu.dma_semaphore, #tpu.memory_space<semaphore_mem>>)
    %mul3A_85 = arith.constant 2 : i32
    %mul3A_86 = arith.muli %mul3A_85, %add3A : i32
    %sub3A_87 = arith.constant 63 : i32
    %sub3A_88 = arith.subi %sub3A_87, %mul3A_86 : i32
    %mul3A_89 = arith.constant 1 : i32
    %mul3A_90 = arith.muli %mul3A_89, %sub3A_88 : i32
    %add3A_91 = arith.addi %add3A, %mul3A_90 : i32
    %dma_start3A_92 = arith.constant 1536 : i32
    %dma_start3A_93 = tpu.memref_slice %arg12[%dma_start3A_92] : memref<8192xf32, #tpu.memory_space<vmem>> -> memref<512xf32, #tpu.memory_space<vmem>>
    %dma_start3A_94 = arith.constant 0 : i32
    %dma_start3A_95 = tpu.memref_slice %arg5[%add3A_91, %dma_start3A_94] : memref<64x512xf32, #tpu.memory_space<hbm>> -> memref<1x512xf32, #tpu.memory_space<hbm>>
    %dma_start3A_96 = tpu.memref_squeeze %dma_start3A_95 : memref<1x512xf32, #tpu.memory_space<hbm>> -> memref<512xf32, #tpu.memory_space<hbm>>
    %dma_start3A_97 = arith.constant 0 : i32
    %dma_start3A_98 = tpu.memref_slice %arg5[%add3A_91, %dma_start3A_97] : memref<64x512xf32, #tpu.memory_space<hbm>> -> memref<1x512xf32, #tpu.memory_space<hbm>>
    %dma_start3A_99 = tpu.memref_squeeze %dma_start3A_98 : memref<1x512xf32, #tpu.memory_space<hbm>> -> memref<512xf32, #tpu.memory_space<hbm>>
    %dma_start3A_100 = arith.constant 1536 : i32
    %dma_start3A_101 = tpu.memref_slice %arg12[%dma_start3A_100] : memref<8192xf32, #tpu.memory_space<vmem>> -> memref<512xf32, #tpu.memory_space<vmem>>
    tpu.enqueue_dma source(%dma_start3A_101 : memref<512xf32, #tpu.memory_space<vmem>>) target(%dma_start3A_99 : memref<512xf32, #tpu.memory_space<hbm>>) target_semaphore(%arg15 : memref<!tpu.dma_semaphore, #tpu.memory_space<semaphore_mem>>)
    %mul3A_102 = arith.constant 2 : i32
    %mul3A_103 = arith.muli %mul3A_102, %add3A : i32
    %sub3A_104 = arith.constant 63 : i32
    %sub3A_105 = arith.subi %sub3A_104, %mul3A_103 : i32
    %mul3A_106 = arith.constant 0 : i32
    %mul3A_107 = arith.muli %mul3A_106, %sub3A_105 : i32
    %add3A_108 = arith.addi %add3A, %mul3A_107 : i32
    %dma_start3A_109 = arith.constant 2048 : i32
    %dma_start3A_110 = tpu.memref_slice %arg12[%dma_start3A_109] : memref<8192xf32, #tpu.memory_space<vmem>> -> memref<512xf32, #tpu.memory_space<vmem>>
    %dma_start3A_111 = arith.constant 0 : i32
    %dma_start3A_112 = tpu.memref_slice %arg6[%add3A_108, %dma_start3A_111] : memref<64x512xf32, #tpu.memory_space<hbm>> -> memref<1x512xf32, #tpu.memory_space<hbm>>
    %dma_start3A_113 = tpu.memref_squeeze %dma_start3A_112 : memref<1x512xf32, #tpu.memory_space<hbm>> -> memref<512xf32, #tpu.memory_space<hbm>>
    %dma_start3A_114 = arith.constant 0 : i32
    %dma_start3A_115 = tpu.memref_slice %arg6[%add3A_108, %dma_start3A_114] : memref<64x512xf32, #tpu.memory_space<hbm>> -> memref<1x512xf32, #tpu.memory_space<hbm>>
    %dma_start3A_116 = tpu.memref_squeeze %dma_start3A_115 : memref<1x512xf32, #tpu.memory_space<hbm>> -> memref<512xf32, #tpu.memory_space<hbm>>
    %dma_start3A_117 = arith.constant 2048 : i32
    %dma_start3A_118 = tpu.memref_slice %arg12[%dma_start3A_117] : memref<8192xf32, #tpu.memory_space<vmem>> -> memref<512xf32, #tpu.memory_space<vmem>>
    tpu.enqueue_dma source(%dma_start3A_118 : memref<512xf32, #tpu.memory_space<vmem>>) target(%dma_start3A_116 : memref<512xf32, #tpu.memory_space<hbm>>) target_semaphore(%arg15 : memref<!tpu.dma_semaphore, #tpu.memory_space<semaphore_mem>>)
    %mul3A_119 = arith.constant 2 : i32
    %mul3A_120 = arith.muli %mul3A_119, %add3A : i32
    %sub3A_121 = arith.constant 63 : i32
    %sub3A_122 = arith.subi %sub3A_121, %mul3A_120 : i32
    %mul3A_123 = arith.constant 1 : i32
    %mul3A_124 = arith.muli %mul3A_123, %sub3A_122 : i32
    %add3A_125 = arith.addi %add3A, %mul3A_124 : i32
    %dma_start3A_126 = arith.constant 2560 : i32
    %dma_start3A_127 = tpu.memref_slice %arg12[%dma_start3A_126] : memref<8192xf32, #tpu.memory_space<vmem>> -> memref<512xf32, #tpu.memory_space<vmem>>
    %dma_start3A_128 = arith.constant 0 : i32
    %dma_start3A_129 = tpu.memref_slice %arg6[%add3A_125, %dma_start3A_128] : memref<64x512xf32, #tpu.memory_space<hbm>> -> memref<1x512xf32, #tpu.memory_space<hbm>>
    %dma_start3A_130 = tpu.memref_squeeze %dma_start3A_129 : memref<1x512xf32, #tpu.memory_space<hbm>> -> memref<512xf32, #tpu.memory_space<hbm>>
    %dma_start3A_131 = arith.constant 0 : i32
    %dma_start3A_132 = tpu.memref_slice %arg6[%add3A_125, %dma_start3A_131] : memref<64x512xf32, #tpu.memory_space<hbm>> -> memref<1x512xf32, #tpu.memory_space<hbm>>
    %dma_start3A_133 = tpu.memref_squeeze %dma_start3A_132 : memref<1x512xf32, #tpu.memory_space<hbm>> -> memref<512xf32, #tpu.memory_space<hbm>>
    %dma_start3A_134 = arith.constant 2560 : i32
    %dma_start3A_135 = tpu.memref_slice %arg12[%dma_start3A_134] : memref<8192xf32, #tpu.memory_space<vmem>> -> memref<512xf32, #tpu.memory_space<vmem>>
    tpu.enqueue_dma source(%dma_start3A_135 : memref<512xf32, #tpu.memory_space<vmem>>) target(%dma_start3A_133 : memref<512xf32, #tpu.memory_space<hbm>>) target_semaphore(%arg15 : memref<!tpu.dma_semaphore, #tpu.memory_space<semaphore_mem>>)
    %mul3A_136 = arith.constant 2 : i32
    %mul3A_137 = arith.muli %mul3A_136, %add3A : i32
    %sub3A_138 = arith.constant 63 : i32
    %sub3A_139 = arith.subi %sub3A_138, %mul3A_137 : i32
    %mul3A_140 = arith.constant 0 : i32
    %mul3A_141 = arith.muli %mul3A_140, %sub3A_139 : i32
    %add3A_142 = arith.addi %add3A, %mul3A_141 : i32
    %dma_start3A_143 = arith.constant 3072 : i32
    %dma_start3A_144 = tpu.memref_slice %arg12[%dma_start3A_143] : memref<8192xf32, #tpu.memory_space<vmem>> -> memref<512xf32, #tpu.memory_space<vmem>>
    %dma_start3A_145 = arith.constant 0 : i32
    %dma_start3A_146 = tpu.memref_slice %arg7[%add3A_142, %dma_start3A_145] : memref<64x512xf32, #tpu.memory_space<hbm>> -> memref<1x512xf32, #tpu.memory_space<hbm>>
    %dma_start3A_147 = tpu.memref_squeeze %dma_start3A_146 : memref<1x512xf32, #tpu.memory_space<hbm>> -> memref<512xf32, #tpu.memory_space<hbm>>
    %dma_start3A_148 = arith.constant 0 : i32
    %dma_start3A_149 = tpu.memref_slice %arg7[%add3A_142, %dma_start3A_148] : memref<64x512xf32, #tpu.memory_space<hbm>> -> memref<1x512xf32, #tpu.memory_space<hbm>>
    %dma_start3A_150 = tpu.memref_squeeze %dma_start3A_149 : memref<1x512xf32, #tpu.memory_space<hbm>> -> memref<512xf32, #tpu.memory_space<hbm>>
    %dma_start3A_151 = arith.constant 3072 : i32
    %dma_start3A_152 = tpu.memref_slice %arg12[%dma_start3A_151] : memref<8192xf32, #tpu.memory_space<vmem>> -> memref<512xf32, #tpu.memory_space<vmem>>
    tpu.enqueue_dma source(%dma_start3A_152 : memref<512xf32, #tpu.memory_space<vmem>>) target(%dma_start3A_150 : memref<512xf32, #tpu.memory_space<hbm>>) target_semaphore(%arg15 : memref<!tpu.dma_semaphore, #tpu.memory_space<semaphore_mem>>)
    %mul3A_153 = arith.constant 2 : i32
    %mul3A_154 = arith.muli %mul3A_153, %add3A : i32
    %sub3A_155 = arith.constant 63 : i32
    %sub3A_156 = arith.subi %sub3A_155, %mul3A_154 : i32
    %mul3A_157 = arith.constant 1 : i32
    %mul3A_158 = arith.muli %mul3A_157, %sub3A_156 : i32
    %add3A_159 = arith.addi %add3A, %mul3A_158 : i32
    %dma_start3A_160 = arith.constant 3584 : i32
    %dma_start3A_161 = tpu.memref_slice %arg12[%dma_start3A_160] : memref<8192xf32, #tpu.memory_space<vmem>> -> memref<512xf32, #tpu.memory_space<vmem>>
    %dma_start3A_162 = arith.constant 0 : i32
    %dma_start3A_163 = tpu.memref_slice %arg7[%add3A_159, %dma_start3A_162] : memref<64x512xf32, #tpu.memory_space<hbm>> -> memref<1x512xf32, #tpu.memory_space<hbm>>
    %dma_start3A_164 = tpu.memref_squeeze %dma_start3A_163 : memref<1x512xf32, #tpu.memory_space<hbm>> -> memref<512xf32, #tpu.memory_space<hbm>>
    %dma_start3A_165 = arith.constant 0 : i32
    %dma_start3A_166 = tpu.memref_slice %arg7[%add3A_159, %dma_start3A_165] : memref<64x512xf32, #tpu.memory_space<hbm>> -> memref<1x512xf32, #tpu.memory_space<hbm>>
    %dma_start3A_167 = tpu.memref_squeeze %dma_start3A_166 : memref<1x512xf32, #tpu.memory_space<hbm>> -> memref<512xf32, #tpu.memory_space<hbm>>
    %dma_start3A_168 = arith.constant 3584 : i32
    %dma_start3A_169 = tpu.memref_slice %arg12[%dma_start3A_168] : memref<8192xf32, #tpu.memory_space<vmem>> -> memref<512xf32, #tpu.memory_space<vmem>>
    tpu.enqueue_dma source(%dma_start3A_169 : memref<512xf32, #tpu.memory_space<vmem>>) target(%dma_start3A_167 : memref<512xf32, #tpu.memory_space<hbm>>) target_semaphore(%arg15 : memref<!tpu.dma_semaphore, #tpu.memory_space<semaphore_mem>>)
    %dma_wait3A_170 = arith.constant 0 : i32
    %dma_wait3A_171 = tpu.memref_slice %arg12[%dma_wait3A_170] : memref<8192xf32, #tpu.memory_space<vmem>> -> memref<2304xf32, #tpu.memory_space<vmem>>
    %dma_wait3A_172 = arith.constant 0 : i32
    %dma_wait3A_173 = tpu.memref_slice %arg2[%dma_wait3A_172] : memref<148456xf32, #tpu.memory_space<hbm>> -> memref<2304xf32, #tpu.memory_space<hbm>>
    %dma_wait3A_174 = arith.constant 0 : i32
    %dma_wait3A_175 = tpu.memref_slice %arg12[%dma_wait3A_174] : memref<8192xf32, #tpu.memory_space<vmem>> -> memref<2304xf32, #tpu.memory_space<vmem>>
    %dma_wait3A_176 = arith.constant 0 : i32
    %dma_wait3A_177 = tpu.memref_slice %arg2[%dma_wait3A_176] : memref<148456xf32, #tpu.memory_space<hbm>> -> memref<2304xf32, #tpu.memory_space<hbm>>
    tpu.wait_dma2 semaphore(%arg17 : memref<!tpu.dma_semaphore, #tpu.memory_space<semaphore_mem>>) src(%dma_wait3A_177 : memref<2304xf32, #tpu.memory_space<hbm>>) dst(%dma_wait3A_175 : memref<2304xf32, #tpu.memory_space<vmem>>)
    %mul3A_178 = arith.constant 2 : i32
    %mul3A_179 = arith.muli %mul3A_178, %add3A : i32
    %sub3A_180 = arith.constant 63 : i32
    %sub3A_181 = arith.subi %sub3A_180, %mul3A_179 : i32
    %mul3A_182 = arith.constant 0 : i32
    %mul3A_183 = arith.muli %mul3A_182, %sub3A_181 : i32
    %add3A_184 = arith.addi %add3A, %mul3A_183 : i32
    %dma_start3A_185 = arith.constant 4096 : i32
    %dma_start3A_186 = tpu.memref_slice %arg12[%dma_start3A_185] : memref<8192xf32, #tpu.memory_space<vmem>> -> memref<512xf32, #tpu.memory_space<vmem>>
    %dma_start3A_187 = arith.constant 0 : i32
    %dma_start3A_188 = tpu.memref_slice %arg8[%add3A_184, %dma_start3A_187] : memref<64x512xf32, #tpu.memory_space<hbm>> -> memref<1x512xf32, #tpu.memory_space<hbm>>
    %dma_start3A_189 = tpu.memref_squeeze %dma_start3A_188 : memref<1x512xf32, #tpu.memory_space<hbm>> -> memref<512xf32, #tpu.memory_space<hbm>>
    %dma_start3A_190 = arith.constant 0 : i32
    %dma_start3A_191 = tpu.memref_slice %arg8[%add3A_184, %dma_start3A_190] : memref<64x512xf32, #tpu.memory_space<hbm>> -> memref<1x512xf32, #tpu.memory_space<hbm>>
    %dma_start3A_192 = tpu.memref_squeeze %dma_start3A_191 : memref<1x512xf32, #tpu.memory_space<hbm>> -> memref<512xf32, #tpu.memory_space<hbm>>
    %dma_start3A_193 = arith.constant 4096 : i32
    %dma_start3A_194 = tpu.memref_slice %arg12[%dma_start3A_193] : memref<8192xf32, #tpu.memory_space<vmem>> -> memref<512xf32, #tpu.memory_space<vmem>>
    tpu.enqueue_dma source(%dma_start3A_194 : memref<512xf32, #tpu.memory_space<vmem>>) target(%dma_start3A_192 : memref<512xf32, #tpu.memory_space<hbm>>) target_semaphore(%arg15 : memref<!tpu.dma_semaphore, #tpu.memory_space<semaphore_mem>>)
    %mul3A_195 = arith.constant 2 : i32
    %mul3A_196 = arith.muli %mul3A_195, %add3A : i32
    %sub3A_197 = arith.constant 63 : i32
    %sub3A_198 = arith.subi %sub3A_197, %mul3A_196 : i32
    %mul3A_199 = arith.constant 1 : i32
    %mul3A_200 = arith.muli %mul3A_199, %sub3A_198 : i32
    %add3A_201 = arith.addi %add3A, %mul3A_200 : i32
    %dma_start3A_202 = arith.constant 4608 : i32
    %dma_start3A_203 = tpu.memref_slice %arg12[%dma_start3A_202] : memref<8192xf32, #tpu.memory_space<vmem>> -> memref<512xf32, #tpu.memory_space<vmem>>
    %dma_start3A_204 = arith.constant 0 : i32
    %dma_start3A_205 = tpu.memref_slice %arg8[%add3A_201, %dma_start3A_204] : memref<64x512xf32, #tpu.memory_space<hbm>> -> memref<1x512xf32, #tpu.memory_space<hbm>>
    %dma_start3A_206 = tpu.memref_squeeze %dma_start3A_205 : memref<1x512xf32, #tpu.memory_space<hbm>> -> memref<512xf32, #tpu.memory_space<hbm>>
    %dma_start3A_207 = arith.constant 0 : i32
    %dma_start3A_208 = tpu.memref_slice %arg8[%add3A_201, %dma_start3A_207] : memref<64x512xf32, #tpu.memory_space<hbm>> -> memref<1x512xf32, #tpu.memory_space<hbm>>
    %dma_start3A_209 = tpu.memref_squeeze %dma_start3A_208 : memref<1x512xf32, #tpu.memory_space<hbm>> -> memref<512xf32, #tpu.memory_space<hbm>>
    %dma_start3A_210 = arith.constant 4608 : i32
    %dma_start3A_211 = tpu.memref_slice %arg12[%dma_start3A_210] : memref<8192xf32, #tpu.memory_space<vmem>> -> memref<512xf32, #tpu.memory_space<vmem>>
    tpu.enqueue_dma source(%dma_start3A_211 : memref<512xf32, #tpu.memory_space<vmem>>) target(%dma_start3A_209 : memref<512xf32, #tpu.memory_space<hbm>>) target_semaphore(%arg15 : memref<!tpu.dma_semaphore, #tpu.memory_space<semaphore_mem>>)
    %mul3A_212 = arith.constant 2 : i32
    %mul3A_213 = arith.muli %mul3A_212, %add3A : i32
    %sub3A_214 = arith.constant 63 : i32
    %sub3A_215 = arith.subi %sub3A_214, %mul3A_213 : i32
    %mul3A_216 = arith.constant 0 : i32
    %mul3A_217 = arith.muli %mul3A_216, %sub3A_215 : i32
    %add3A_218 = arith.addi %add3A, %mul3A_217 : i32
    %dma_start3A_219 = arith.constant 5120 : i32
    %dma_start3A_220 = tpu.memref_slice %arg12[%dma_start3A_219] : memref<8192xf32, #tpu.memory_space<vmem>> -> memref<512xf32, #tpu.memory_space<vmem>>
    %dma_start3A_221 = arith.constant 0 : i32
    %dma_start3A_222 = tpu.memref_slice %arg9[%add3A_218, %dma_start3A_221] : memref<64x512xf32, #tpu.memory_space<hbm>> -> memref<1x512xf32, #tpu.memory_space<hbm>>
    %dma_start3A_223 = tpu.memref_squeeze %dma_start3A_222 : memref<1x512xf32, #tpu.memory_space<hbm>> -> memref<512xf32, #tpu.memory_space<hbm>>
    %dma_start3A_224 = arith.constant 0 : i32
    %dma_start3A_225 = tpu.memref_slice %arg9[%add3A_218, %dma_start3A_224] : memref<64x512xf32, #tpu.memory_space<hbm>> -> memref<1x512xf32, #tpu.memory_space<hbm>>
    %dma_start3A_226 = tpu.memref_squeeze %dma_start3A_225 : memref<1x512xf32, #tpu.memory_space<hbm>> -> memref<512xf32, #tpu.memory_space<hbm>>
    %dma_start3A_227 = arith.constant 5120 : i32
    %dma_start3A_228 = tpu.memref_slice %arg12[%dma_start3A_227] : memref<8192xf32, #tpu.memory_space<vmem>> -> memref<512xf32, #tpu.memory_space<vmem>>
    tpu.enqueue_dma source(%dma_start3A_228 : memref<512xf32, #tpu.memory_space<vmem>>) target(%dma_start3A_226 : memref<512xf32, #tpu.memory_space<hbm>>) target_semaphore(%arg15 : memref<!tpu.dma_semaphore, #tpu.memory_space<semaphore_mem>>)
    %mul3A_229 = arith.constant 2 : i32
    %mul3A_230 = arith.muli %mul3A_229, %add3A : i32
    %sub3A_231 = arith.constant 63 : i32
    %sub3A_232 = arith.subi %sub3A_231, %mul3A_230 : i32
    %mul3A_233 = arith.constant 1 : i32
    %mul3A_234 = arith.muli %mul3A_233, %sub3A_232 : i32
    %add3A_235 = arith.addi %add3A, %mul3A_234 : i32
    %dma_start3A_236 = arith.constant 5632 : i32
    %dma_start3A_237 = tpu.memref_slice %arg12[%dma_start3A_236] : memref<8192xf32, #tpu.memory_space<vmem>> -> memref<512xf32, #tpu.memory_space<vmem>>
    %dma_start3A_238 = arith.constant 0 : i32
    %dma_start3A_239 = tpu.memref_slice %arg9[%add3A_235, %dma_start3A_238] : memref<64x512xf32, #tpu.memory_space<hbm>> -> memref<1x512xf32, #tpu.memory_space<hbm>>
    %dma_start3A_240 = tpu.memref_squeeze %dma_start3A_239 : memref<1x512xf32, #tpu.memory_space<hbm>> -> memref<512xf32, #tpu.memory_space<hbm>>
    %dma_start3A_241 = arith.constant 0 : i32
    %dma_start3A_242 = tpu.memref_slice %arg9[%add3A_235, %dma_start3A_241] : memref<64x512xf32, #tpu.memory_space<hbm>> -> memref<1x512xf32, #tpu.memory_space<hbm>>
    %dma_start3A_243 = tpu.memref_squeeze %dma_start3A_242 : memref<1x512xf32, #tpu.memory_space<hbm>> -> memref<512xf32, #tpu.memory_space<hbm>>
    %dma_start3A_244 = arith.constant 5632 : i32
    %dma_start3A_245 = tpu.memref_slice %arg12[%dma_start3A_244] : memref<8192xf32, #tpu.memory_space<vmem>> -> memref<512xf32, #tpu.memory_space<vmem>>
    tpu.enqueue_dma source(%dma_start3A_245 : memref<512xf32, #tpu.memory_space<vmem>>) target(%dma_start3A_243 : memref<512xf32, #tpu.memory_space<hbm>>) target_semaphore(%arg15 : memref<!tpu.dma_semaphore, #tpu.memory_space<semaphore_mem>>)
    %mul3A_246 = arith.constant 2 : i32
    %mul3A_247 = arith.muli %mul3A_246, %add3A : i32
    %sub3A_248 = arith.constant 63 : i32
    %sub3A_249 = arith.subi %sub3A_248, %mul3A_247 : i32
    %mul3A_250 = arith.constant 0 : i32
    %mul3A_251 = arith.muli %mul3A_250, %sub3A_249 : i32
    %add3A_252 = arith.addi %add3A, %mul3A_251 : i32
    %dma_start3A_253 = arith.constant 6144 : i32
    %dma_start3A_254 = tpu.memref_slice %arg12[%dma_start3A_253] : memref<8192xf32, #tpu.memory_space<vmem>> -> memref<512xf32, #tpu.memory_space<vmem>>
    %dma_start3A_255 = arith.constant 0 : i32
    %dma_start3A_256 = tpu.memref_slice %arg10[%add3A_252, %dma_start3A_255] : memref<64x512xf32, #tpu.memory_space<hbm>> -> memref<1x512xf32, #tpu.memory_space<hbm>>
    %dma_start3A_257 = tpu.memref_squeeze %dma_start3A_256 : memref<1x512xf32, #tpu.memory_space<hbm>> -> memref<512xf32, #tpu.memory_space<hbm>>
    %dma_start3A_258 = arith.constant 0 : i32
    %dma_start3A_259 = tpu.memref_slice %arg10[%add3A_252, %dma_start3A_258] : memref<64x512xf32, #tpu.memory_space<hbm>> -> memref<1x512xf32, #tpu.memory_space<hbm>>
    %dma_start3A_260 = tpu.memref_squeeze %dma_start3A_259 : memref<1x512xf32, #tpu.memory_space<hbm>> -> memref<512xf32, #tpu.memory_space<hbm>>
    %dma_start3A_261 = arith.constant 6144 : i32
    %dma_start3A_262 = tpu.memref_slice %arg12[%dma_start3A_261] : memref<8192xf32, #tpu.memory_space<vmem>> -> memref<512xf32, #tpu.memory_space<vmem>>
    tpu.enqueue_dma source(%dma_start3A_262 : memref<512xf32, #tpu.memory_space<vmem>>) target(%dma_start3A_260 : memref<512xf32, #tpu.memory_space<hbm>>) target_semaphore(%arg15 : memref<!tpu.dma_semaphore, #tpu.memory_space<semaphore_mem>>)
    %mul3A_263 = arith.constant 2 : i32
    %mul3A_264 = arith.muli %mul3A_263, %add3A : i32
    %sub3A_265 = arith.constant 63 : i32
    %sub3A_266 = arith.subi %sub3A_265, %mul3A_264 : i32
    %mul3A_267 = arith.constant 1 : i32
    %mul3A_268 = arith.muli %mul3A_267, %sub3A_266 : i32
    %add3A_269 = arith.addi %add3A, %mul3A_268 : i32
    %dma_start3A_270 = arith.constant 6656 : i32
    %dma_start3A_271 = tpu.memref_slice %arg12[%dma_start3A_270] : memref<8192xf32, #tpu.memory_space<vmem>> -> memref<512xf32, #tpu.memory_space<vmem>>
    %dma_start3A_272 = arith.constant 0 : i32
    %dma_start3A_273 = tpu.memref_slice %arg10[%add3A_269, %dma_start3A_272] : memref<64x512xf32, #tpu.memory_space<hbm>> -> memref<1x512xf32, #tpu.memory_space<hbm>>
    %dma_start3A_274 = tpu.memref_squeeze %dma_start3A_273 : memref<1x512xf32, #tpu.memory_space<hbm>> -> memref<512xf32, #tpu.memory_space<hbm>>
    %dma_start3A_275 = arith.constant 0 : i32
    %dma_start3A_276 = tpu.memref_slice %arg10[%add3A_269, %dma_start3A_275] : memref<64x512xf32, #tpu.memory_space<hbm>> -> memref<1x512xf32, #tpu.memory_space<hbm>>
    %dma_start3A_277 = tpu.memref_squeeze %dma_start3A_276 : memref<1x512xf32, #tpu.memory_space<hbm>> -> memref<512xf32, #tpu.memory_space<hbm>>
    %dma_start3A_278 = arith.constant 6656 : i32
    %dma_start3A_279 = tpu.memref_slice %arg12[%dma_start3A_278] : memref<8192xf32, #tpu.memory_space<vmem>> -> memref<512xf32, #tpu.memory_space<vmem>>
    tpu.enqueue_dma source(%dma_start3A_279 : memref<512xf32, #tpu.memory_space<vmem>>) target(%dma_start3A_277 : memref<512xf32, #tpu.memory_space<hbm>>) target_semaphore(%arg15 : memref<!tpu.dma_semaphore, #tpu.memory_space<semaphore_mem>>)
    %mul3A_280 = arith.constant 2 : i32
    %mul3A_281 = arith.muli %mul3A_280, %add3A : i32
    %sub3A_282 = arith.constant 63 : i32
    %sub3A_283 = arith.subi %sub3A_282, %mul3A_281 : i32
    %mul3A_284 = arith.constant 0 : i32
    %mul3A_285 = arith.muli %mul3A_284, %sub3A_283 : i32
    %add3A_286 = arith.addi %add3A, %mul3A_285 : i32
    %dma_start3A_287 = arith.constant 7168 : i32
    %dma_start3A_288 = tpu.memref_slice %arg12[%dma_start3A_287] : memref<8192xf32, #tpu.memory_space<vmem>> -> memref<512xf32, #tpu.memory_space<vmem>>
    %dma_start3A_289 = arith.constant 0 : i32
    %dma_start3A_290 = tpu.memref_slice %arg11[%add3A_286, %dma_start3A_289] : memref<64x512xf32, #tpu.memory_space<hbm>> -> memref<1x512xf32, #tpu.memory_space<hbm>>
    %dma_start3A_291 = tpu.memref_squeeze %dma_start3A_290 : memref<1x512xf32, #tpu.memory_space<hbm>> -> memref<512xf32, #tpu.memory_space<hbm>>
    %dma_start3A_292 = arith.constant 0 : i32
    %dma_start3A_293 = tpu.memref_slice %arg11[%add3A_286, %dma_start3A_292] : memref<64x512xf32, #tpu.memory_space<hbm>> -> memref<1x512xf32, #tpu.memory_space<hbm>>
    %dma_start3A_294 = tpu.memref_squeeze %dma_start3A_293 : memref<1x512xf32, #tpu.memory_space<hbm>> -> memref<512xf32, #tpu.memory_space<hbm>>
    %dma_start3A_295 = arith.constant 7168 : i32
    %dma_start3A_296 = tpu.memref_slice %arg12[%dma_start3A_295] : memref<8192xf32, #tpu.memory_space<vmem>> -> memref<512xf32, #tpu.memory_space<vmem>>
    tpu.enqueue_dma source(%dma_start3A_296 : memref<512xf32, #tpu.memory_space<vmem>>) target(%dma_start3A_294 : memref<512xf32, #tpu.memory_space<hbm>>) target_semaphore(%arg15 : memref<!tpu.dma_semaphore, #tpu.memory_space<semaphore_mem>>)
    %mul3A_297 = arith.constant 2 : i32
    %mul3A_298 = arith.muli %mul3A_297, %add3A : i32
    %sub3A_299 = arith.constant 63 : i32
    %sub3A_300 = arith.subi %sub3A_299, %mul3A_298 : i32
    %mul3A_301 = arith.constant 1 : i32
    %mul3A_302 = arith.muli %mul3A_301, %sub3A_300 : i32
    %add3A_303 = arith.addi %add3A, %mul3A_302 : i32
    %dma_start3A_304 = arith.constant 7680 : i32
    %dma_start3A_305 = tpu.memref_slice %arg12[%dma_start3A_304] : memref<8192xf32, #tpu.memory_space<vmem>> -> memref<512xf32, #tpu.memory_space<vmem>>
    %dma_start3A_306 = arith.constant 0 : i32
    %dma_start3A_307 = tpu.memref_slice %arg11[%add3A_303, %dma_start3A_306] : memref<64x512xf32, #tpu.memory_space<hbm>> -> memref<1x512xf32, #tpu.memory_space<hbm>>
    %dma_start3A_308 = tpu.memref_squeeze %dma_start3A_307 : memref<1x512xf32, #tpu.memory_space<hbm>> -> memref<512xf32, #tpu.memory_space<hbm>>
    %dma_start3A_309 = arith.constant 0 : i32
    %dma_start3A_310 = tpu.memref_slice %arg11[%add3A_303, %dma_start3A_309] : memref<64x512xf32, #tpu.memory_space<hbm>> -> memref<1x512xf32, #tpu.memory_space<hbm>>
    %dma_start3A_311 = tpu.memref_squeeze %dma_start3A_310 : memref<1x512xf32, #tpu.memory_space<hbm>> -> memref<512xf32, #tpu.memory_space<hbm>>
    %dma_start3A_312 = arith.constant 7680 : i32
    %dma_start3A_313 = tpu.memref_slice %arg12[%dma_start3A_312] : memref<8192xf32, #tpu.memory_space<vmem>> -> memref<512xf32, #tpu.memory_space<vmem>>
    tpu.enqueue_dma source(%dma_start3A_313 : memref<512xf32, #tpu.memory_space<vmem>>) target(%dma_start3A_311 : memref<512xf32, #tpu.memory_space<hbm>>) target_semaphore(%arg15 : memref<!tpu.dma_semaphore, #tpu.memory_space<semaphore_mem>>)
    %dma_wait3A_314 = arith.constant 0 : i32
    %dma_wait3A_315 = tpu.memref_slice %arg2[%dma_wait3A_314] : memref<148456xf32, #tpu.memory_space<hbm>> -> memref<8192xf32, #tpu.memory_space<hbm>>
    %dma_wait3A_316 = arith.constant 0 : i32
    %dma_wait3A_317 = tpu.memref_slice %arg2[%dma_wait3A_316] : memref<148456xf32, #tpu.memory_space<hbm>> -> memref<8192xf32, #tpu.memory_space<hbm>>
    tpu.wait_dma2 semaphore(%arg15 : memref<!tpu.dma_semaphore, #tpu.memory_space<semaphore_mem>>) src(%dma_wait3A_317 : memref<8192xf32, #tpu.memory_space<hbm>>) dst(%arg12 : memref<8192xf32, #tpu.memory_space<vmem>>)
    %eq3A_318 = arith.constant 0 : i32
    %eq3A_319 = arith.cmpi eq, %add3A, %eq3A_318 : i32
    %convert_element_type3A_320 = arith.extui %eq3A_319 : i1 to i32
    %cond3A_321 = arith.constant 0 : i32
    %cond3A_322 = arith.cmpi ne, %convert_element_type3A_320, %cond3A_321 : i32
    scf.if %cond3A_322 {
      %dma_wait3A_323 = arith.constant 0 : i32
      %dma_wait3A_324 = tpu.memref_slice %arg2[%dma_wait3A_323] : memref<148456xf32, #tpu.memory_space<hbm>> -> memref<1000xf32, #tpu.memory_space<hbm>>
      %dma_wait3A_325 = arith.constant 0 : i32
      %dma_wait3A_326 = tpu.memref_slice %arg2[%dma_wait3A_325] : memref<148456xf32, #tpu.memory_space<hbm>> -> memref<1000xf32, #tpu.memory_space<hbm>>
      tpu.wait_dma2 semaphore(%arg16 : memref<!tpu.dma_semaphore, #tpu.memory_space<semaphore_mem>>) src(%dma_wait3A_326 : memref<1000xf32, #tpu.memory_space<hbm>>) dst(%arg13 : memref<1000xf32, #tpu.memory_space<vmem>>)
    } else {
    }
    return
  }
}

</mosaic_0001>

<sc_bundles>
// kernel: kernel.3.cloned.1.call-start
scs
__scs_entry_jumppad:
0x0: {  	(pc) =	sbr.rel $0x88, $3  }
0x1: {  	(tag) =	ssettag $0x0;
	lr =	simm.s32 $0x1  }
0x2: {  	[smem:$0x3FA0] =	sst lr;
	_ =	strace $0xD0000000  }
0x3: {  	_ = 	snop  }
0x4: {  	_ = 	snop  }
0x5: {  	_ = 	snop  }
0x6: {  	_ = 	snop  }
0x7: {  	_ = 	snop  }
__scs_overlays_trampoline_lowered:
0x8: {  	[smem:$0x3FAF] =	sst s0  }
0x9: {  	[smem:$0x3FB0] =	sst s1  }
0xa: {  	[smem:$0x3FB1] =	sst s2  }
0xb: {  	[smem:$0x3FB2] =	sst s3  }
0xc: {  	[smem:$0x3FB3] =	sst s4  }
0xd: {  	[smem:$0x3FB4] =	sst s5  }
0xe: {  	[smem:$0x3FB5] =	sst s6  }
0xf: {  	[smem:$0x3FB6] =	sst s7  }
0x10: {  	[smem:$0x3FB7] =	sst s8  }
0x11: {  	[smem:$0x3FB8] =	sst s9;
	s0 =	simm.s32 @!p0 $0x0  }
0x12: {  	s1 =	sld [smem:$0x3F9E];
	s0 =	simm.s32 @p0 $0x1  }
0x13: {  	[smem:$0x3FB9] =	sst s0;
	s0 =	simm.s32 @!p1 $0x0  }
0x14: {  	s2 =	sld [smem:$0x3F9D];
	s0 =	simm.s32 @p1 $0x1  }
0x15: {  	[smem:$0x3FBA] =	sst s0;
	s0 =	simm.s32 @!p2 $0x0  }
0x16: {  	s3 =	sld [smem:$0x3FDB];
	s0 =	simm.s32 @p2 $0x1  }
0x17: {  	s4 =	simm.s32 $0x1BF5;
	[smem:$0x3FBC] =	sst s0  }
0x18: {  	s0 =	sld [smem:$0x3F9F];
	_ =	swait.ge [sflag:s4], $0x0  }
0x19: {  	s7 =	sld [smem:$0x3FA0]  }
0x1a: {  	s8 =	sadd.s32 $0xFFFFE003, lr  }
0x1b: {  	s9 =	sadd.s32 $0xFFFFFEF7, lr;
	s5 =	simm.s32 $0xFFFFFFFF;
	p2 =	slt.u32 s8, $0xFFFFF086  }
0x1c: {  	p1 =	slt.u32 s9, $0xF7A;
	s5 =	simm.s32 @!p2 $0x0  }
0x1d: {  	s5 =	simm.s32 @p1 $0x1;
	p0 =	seq.s32 s7, s2  }
0x1e: {  	s7 =	smul.u32 @!p0 $0xF7A, s2;
	p2 =	seq.s32 @!p0 s5, $0x0  }
0x1f: {  	s9 =	smul.u32 $0xF7A, s1;
	s8 =	simm.s32 @!p0 $0x1BF5;
	p2 =	por !p2, p0  }
0x20: {  	[sflag:s8] =	ssyncset.s32 @!p0 $0xFFFFF086;
	s6 =	sadd.s32 @!p0 s3, s7;
	s7 =	simm.s32 @!p0 $0x108  }
0x21: {  	s3 =	sadd.s32 s3, s9;
	s6 =	sadd.s32 @!p0 $0x88, s6;
	s7 =	simm.s32 @p2 $0x1082  }
0x22: {  	[simem:s7], [sflag:s8] =	dma.local @!p0 [hbm:s6], $0xF7A  }
0x23: {  	s9 =	sor.u32 $0xD0000000, s2;
	s6 =	simm.s32 $0x108;
	_ =	swait.ge @!p0 [sflag:s8], $0x0  }
0x24: {  	s3 =	sadd.s32 $0x88, s3;
	s6 =	simm.s32 @!p1 $0x1082;
	[sflag:s4] =	ssyncset.s32 $0xFFFFF086  }
0x25: {  	[simem:s6], [sflag:s4] =	dma.local [hbm:s3], $0xF7A  }
0x26: {  	[smem:$0x3FA0] =	sst s1;
	(tag) =	ssettag s2;
	_ =	strace s9  }
0x27: {  	s1 =	sld [smem:$0x3FB0]  }
0x28: {  	s2 =	sld [smem:$0x3FB1]  }
0x29: {  	s4 =	sld [smem:$0x3FB3]  }
0x2a: {  	p0 =	seq.s32 s5, $0x0;
	s5 =	sld [smem:$0x3FB4]  }
0x2b: {  	s6 =	sld [smem:$0x3FB5]  }
0x2c: {  	s7 =	sld [smem:$0x3FB6]  }
0x2d: {  	s3 =	simm.s32 $0x108;
	s8 =	sld [smem:$0x3FB7]  }
0x2e: {  	s3 =	simm.s32 @!p0 $0x1082;
	s9 =	sld [smem:$0x3FB8]  }
0x2f: {  	lr =	sadd.s32 s0, s3;
	s0 =	sld [smem:$0x3FAF]  }
0x30: {  	s3 =	sld [smem:$0x3FB2]  }
0x31: {  	[smem:$0x3FBB] =	sst s10  }
0x32: {  	s10 =	sld [smem:$0x3FB9];
	_ =	sdelay $0x3  }
0x33: {  	p0 =	seq.s32 s10, $0x1;
	s10 =	sld [smem:$0x3FBB];
	_ =	sdelay $0x3  }
0x34: {  	[smem:$0x3FBB] =	sst s10  }
0x35: {  	s10 =	sld [smem:$0x3FBA];
	_ =	sdelay $0x3  }
0x36: {  	p1 =	seq.s32 s10, $0x1;
	s10 =	sld [smem:$0x3FBB];
	_ =	sdelay $0x3  }
0x37: {  	[smem:$0x3FBB] =	sst s10  }
0x38: {  	s10 =	sld [smem:$0x3FBC]  }
0x39: {  	_ = 	snop;
	(pc) =	sbr.ind lr, $3  }
0x3a: {  	_ = 	snop  }
0x3b: {  	_ = 	snop  }
0x3c: {  	p2 =	seq.s32 s10, $0x1;
	s10 =	sld [smem:$0x3FBB]  }
0x3d: {  	_ =	shalt  }
0x3e: {  	_ =	shalt  }
0x3f: {  	_ =	shalt  }
0x40: {  	_ =	shalt  }
0x41: {  	_ =	shalt  }
0x42: {  	_ =	shalt  }
0x43: {  	_ =	shalt  }
0x44: {  	_ =	shalt  }
0x45: {  	_ =	shalt  }
0x46: {  	_ =	shalt  }
0x47: {  	_ =	shalt  }
0x48: {  	_ =	shalt  }
0x49: {  	_ =	shalt  }
0x4a: {  	_ =	shalt  }
0x4b: {  	_ =	shalt  }
0x4c: {  	_ =	shalt  }
0x4d: {  	_ =	shalt  }
0x4e: {  	_ =	shalt  }
0x4f: {  	_ =	shalt  }
0x50: {  	_ =	shalt  }
0x51: {  	_ =	shalt  }
0x52: {  	_ =	shalt  }
0x53: {  	_ =	shalt  }
0x54: {  	_ =	shalt  }
0x55: {  	_ =	shalt  }
0x56: {  	_ =	shalt  }
0x57: {  	_ =	shalt  }
0x58: {  	_ =	shalt  }
0x59: {  	_ =	shalt  }
0x5a: {  	_ =	shalt  }
0x5b: {  	_ =	shalt  }
0x5c: {  	_ =	shalt  }
0x5d: {  	_ =	shalt  }
0x5e: {  	_ =	shalt  }
0x5f: {  	_ =	shalt  }
0x60: {  	_ =	shalt  }
0x61: {  	_ =	shalt  }
0x62: {  	_ =	shalt  }
0x63: {  	_ =	shalt  }
0x64: {  	_ =	shalt  }
0x65: {  	_ =	shalt  }
0x66: {  	_ =	shalt  }
0x67: {  	_ =	shalt  }
0x68: {  	_ =	shalt  }
0x69: {  	_ =	shalt  }
0x6a: {  	_ =	shalt  }
0x6b: {  	_ =	shalt  }
0x6c: {  	_ =	shalt  }
0x6d: {  	_ =	shalt  }
0x6e: {  	_ =	shalt  }
0x6f: {  	_ =	shalt  }
0x70: {  	_ =	shalt  }
0x71: {  	_ =	shalt  }
0x72: {  	_ =	shalt  }
0x73: {  	_ =	shalt  }
0x74: {  	_ =	shalt  }
0x75: {  	_ =	shalt  }
0x76: {  	_ =	shalt  }
0x77: {  	_ =	shalt  }
0x78: {  	_ =	shalt  }
0x79: {  	_ =	shalt  }
0x7a: {  	_ =	shalt  }
0x7b: {  	_ =	shalt  }
0x7c: {  	_ =	shalt  }
0x7d: {  	_ =	shalt  }
0x7e: {  	_ =	shalt  }
0x7f: {  	_ =	shalt  }
0x80: {  	_ =	shalt  }
0x81: {  	_ =	shalt  }
0x82: {  	_ =	shalt  }
0x83: {  	_ =	shalt  }
0x84: {  	_ =	shalt  }
0x85: {  	_ =	shalt  }
0x86: {  	_ =	shalt  }
0x87: {  	_ =	shalt  }
.Lfunc_end0:
.L_simem_size_0:
called_computation_lowered:
.L_overlay_start_0:
0x88: {  	s2 =	sld [smem:$0x3FD9]  }
0x89: {  	s3 =	sld [smem:$0x3FFE];
	_ =	sdelay $0x1  }
0x8a: {  	s1 =	srdreg.scid  }
0x8b: {  	s0 =	sand.u32 $0x1, s1  }
0x8c: {  	s15 =	sshll.u32 s0, $0xA;
	s2 =	sadd.s32 s3, s2  }
0x8d: {  	s2 =	sadd.s32 s2, s15  }
0x8e: {  	[smem:$0x3FC7] =	sst s2  }
0x8f: {  	_ = 	snop  }
0x90: {  	s16 =	sld [smem:$0x3FD0];
	_ =	sdelay $0x2  }
0x91: {  	s4 =	simm.s32 $0xA;
	s5 =	simm.s32 $0x10;
	s2 =	sld [smem:$0x3FC9]  }
0x92: {  	[smem:s5], [sflag:s4] =	dma.local [hbm:s16], $0x1  }
0x93: {  	_ =	swait.eq [sflag:s4], $0x1  }
0x94: {  	s6 =	sld [smem:$0x10]  }
0x95: {  	s7 =	sld [smem:$0x11]  }
0x96: {  	s8 =	sld [smem:$0x12]  }
0x97: {  	s9 =	sld [smem:$0x13]  }
0x98: {  	s10 =	sld [smem:$0x14]  }
0x99: {  	s11 =	sld [smem:$0x15];
	[sflag:s4] =	ssyncset.done $0x0  }
0x9a: {  	s12 =	sld [smem:$0x16];
	[sflag:s4] =	ssyncadd.s32 $0xFFFFFFFF  }
0x9b: {  	s3 =	sadd.s32 $0x1, s16;
	s13 =	sld [smem:$0x17]  }
0x9c: {  	[smem:s5], [sflag:s4] =	dma.local [hbm:s3], $0x1  }
0x9d: {  	_ =	swait.eq [sflag:s4], $0x1  }
0x9e: {  	[sflag:s4] =	ssyncset.done $0x0  }
0x9f: {  	[sflag:s4] =	ssyncadd.s32 $0xFFFFFFFF  }
0xa0: {  	s17 =	sld [smem:$0x10];
	(tm) =	ssettm $0x1  }
0xa1: {  	s18 =	sld [smem:$0x3FFB];
	_ =	sdelay $0x3  }
0xa2: {  	_ =	strace s18  }
0xa3: {  	s4 =	sld [smem:$0x3FFC];
	_ =	sdelay $0x3  }
0xa4: {  	_ =	strace s4  }
0xa5: {  	s4 =	sld [smem:$0x3FFD];
	_ =	sdelay $0x3  }
0xa6: {  	_ =	strace s4  }
0xa7: {  	_ =	strace $0x8FFFFFFF  }
0xa8: {  	s19 =	sld [smem:$0x3FDB];
	_ =	sdelay $0x1  }
0xa9: {  	s20 =	simm.s32 $_scs_section_size  }
0xaa: {  	s14 =	simm.s32 $_size__tile_overlayer_lowered;
	s15 =	simm.s32 $_tile_overlayer_lowered  }
0xab: {  	s23 =	simm.s32 $0x1BFF;
	s22 =	sshll.u32 s15, $0x1;
	s4 =	sadd.s32 s20, s19  }
0xac: {  	s21 =	sshll.u32 s14, $0x1;
	s16 =	simm.s32 $0x0;
	s14 =	sadd.s32 s22, s4  }
0xad: {  	[timem:s16], [sflag:s23] =	dma.local [hbm:s14], s21  }
0xae: {  	_ =	swait.ge [sflag:s23], s21  }
0xaf: {  	s5 =	ssub.s32 $0x0, s21;
	[sflag:s23] =	ssyncset.done $0x0  }
0xb0: {  	[sflag:s23] =	ssyncadd.s32 s5;
	_ =	sdelay $0x1  }
0xb1: {  	s24 =	simm.s32 $0x1B8B  }
0xb2: {  	_ =	swait.ge [sflag:s24], $0x1  }
0xb3: {  	[sflag:s24] =	ssyncset.done $0x0  }
0xb4: {  	s25 =	simm.s32 $0x1B8E;
	[sflag:s24] =	ssyncadd.s32 $0xFFFFFFFF  }
0xb5: {  	s26 =	simm.s32 $execute0_lowered;
	[smem:$0x3FD2] =	sst s25  }
0xb6: {  	s5 =	sshll.u32 s26, $0x1;
	_ =	strace $0x80000046;
	[dreg:$0x1] =	wrdreg $0xFFFFFFFF  }
0xb7: {  	s28 =	simm.s32 $_size_execute0_lowered;
	s4 =	sadd.s32 s4, s5;
	[dreg:$0x0] =	wrdreg $0x0  }
0xb8: {  	s5 =	sshll.u32 s28, $0x1;
	[dreg:$0x2] =	wrdreg s4  }
0xb9: {  	[dreg:$0x3] =	wrdreg s5  }
0xba: {  	[dreg:$0x4] =	wrdreg $0xC0  }
0xbb: {  	_ =	task [dreg:s16], $0x5FFFF  }
0xbc: {  	[dreg:$0x1] =	wrdreg $0xFFFFFFFF  }
0xbd: {  	[dreg:$0x0] =	wrdreg $0x60  }
0xbe: {  	[dreg:$0x2] =	wrdreg s2  }
0xbf: {  	[dreg:$0x3] =	wrdreg s6  }
0xc0: {  	[dreg:$0x4] =	wrdreg s7  }
0xc1: {  	[dreg:$0x5] =	wrdreg s8  }
0xc2: {  	[dreg:$0x6] =	wrdreg s9  }
0xc3: {  	[dreg:$0x7] =	wrdreg s10  }
0xc4: {  	[dreg:$0x8] =	wrdreg s11  }
0xc5: {  	[dreg:$0x9] =	wrdreg s12  }
0xc6: {  	[dreg:$0xa] =	wrdreg s13  }
0xc7: {  	[dreg:$0xb] =	wrdreg s17  }
0xc8: {  	[dreg:$0xc] =	wrdreg $0x9  }
0xc9: {  	_ =	task.clear_ibuf [dreg:s16], $0xDFFFF;
	_ =	strace $0x90000046  }
0xca: {  	s29 =	simm.s32 $0x9;
	_ =	strace $0x80000048  }
0xcb: {  	_ =	swait.ge [sflag:s29], $0x1  }
0xcc: {  	[sflag:s29] =	ssyncadd.s32 $0xFFFFFFFF  }
0xcd: {  	_ =	strace $0x90000048  }
0xce: {  	_ =	sfence  }
0xcf: {  	s30 =	sld [smem:$0x0];
	_ =	sdelay $0x2  }
0xd0: {  	s31 =	sshll.u32 s1, $0xD;
	s1 =	sshrl.u32 s1, $0x2  }
0xd1: {  	s3 =	sand.u32 $0x4000, s31;
	s1 =	sadd.s32 s1, s30  }
0xd2: {  	s0 =	sor.u32 s3, s0;
	s1 =	sshll.u32 s1, $0x11  }
0xd3: {  	s0 =	sor.u32 s1, s0  }
0xd4: {  	s0 =	sadd.s32 $0x8F2B, s0  }
0xd5: {  	[sflag:s0] =	ssyncadd.remote.s32 $0x1  }
0xd6: {  	_ =	sfence.sel $0xFFFF  }
0xd7: {  	[dreg:$0x0] =	wrdreg $0xFFFFFFFF;
	(pc) =	sbr.abs _section_cstart, $3  }
0xd8: {  	[dreg:$0x1] =	wrdreg $0xFFFFFFFF  }
0xd9: {  	_ =	task.clear_ibuf [dreg:s16], $0x2FFFF;
	_ =	strace $0x9FFFFFFF  }
0xda: {  	(tm) =	ssettm $0x7FFFFFFF  }
0xdb: {  	_ =	shalt  }
tec
execute0_lowered:
.L_overlay_start_1:
0x0: {  	(tag) =	ssettag $0x1  }
0x1: {  	s0 =	rddreg [dreg:$0x0]  }
0x2: {  	s1 =	rddreg [dreg:$0x2]  }
0x3: {  	s2 =	rddreg [dreg:$0x3]  }
0x4: {  	s3 =	rddreg [dreg:$0x4]  }
0x5: {  	s4 =	rddreg [dreg:$0x5]  }
0x6: {  	s17 =	rddreg [dreg:$0x6]  }
0x7: {  	s19 =	rddreg [dreg:$0x7]  }
0x8: {  	s21 =	rddreg [dreg:$0x8]  }
0x9: {  	s23 =	rddreg [dreg:$0x9]  }
0xa: {  	s5 =	srdreg.scid;
	s7 =	simm.s32 $0x0;
	s9 =	stileid.u32  }
0xb: {  	s28 =	simm.s32 $0x400;
	s31 =	simm.s32 $0x2;
	s5 =	sand.u32 $0x1, s5  }
0xc: {  	[smem:$0x7FF] =	sst s7;
	s8 =	sshll.u32 s9, $0x1;
	s16 =	sshll.u32 s9, $0x7  }
0xd: {  	s6 =	ssub.s32 $0x2, s5;
	_ =	strace $0x80000047;
	s5 =	sor.u32 s5, s8  }
0xe: {  	s14 =	sshrl.u32 s6, $0x1;
	s15 =	sshll.u32 s5, $0x1;
	s8 =	sxor.u32 $0x3F, s5  }
0xf: {  	s18 =	sshll.u32 s5, $0x4;
	p1 =	sne.s32 s5, $0x0;
	s24 =	ssub.s32 s6, s14  }
0x10: {  	s10 =	sshll.u32 s8, $0x6;
	s8 =	sshll.u32 s8, $0x4;
	s9 =	sor.u32 s16, s18  }
0x11: {  	s6 =	sxor.u32 $0x3F, s15;
	s7 =	sxor.u32 $0xFFFFFFFF, s15;
	s10 =	sand.u32 $0xE00, s10  }
0x12: {  	s8 =	sand.u32 $0x70, s8;
	s22 =	sand.u32 $0x670, s9;
	s24 =	smax.u32 s24, $0x1  }
0x13: {  	s25 =	sor.u32 s8, s10;
	s20 =	sadd.s32 s1, s22;
	s26 =	sadd.s32 s2, s22  }
0x14: {  	s30 =	sadd.s32 s3, s22;
	s14 =	sadd.s32 s4, s22;
	[dreg:$0xb] =	wrdreg s20  }
0x15: {  	s16 =	sadd.s32 s17, s22;
	s18 =	sadd.s32 s19, s22;
	[dreg:$0xd] =	wrdreg s26  }
0x16: {  	s1 =	sadd.s32 s1, s25;
	s29 =	sadd.s32 s2, s25;
	[dreg:$0xf] =	wrdreg s30  }
0x17: {  	s13 =	sadd.s32 s3, s25;
	s15 =	sadd.s32 s4, s25;
	s17 =	sadd.s32 s17, s25  }
.Ltmp0:
0x18: {  	s19 =	sadd.s32 s19, s25;
	s20 =	sadd.s32 s21, s22;
	(pc) =	sbr.rel .LBB2_1-.Ltmp0, $4  }
0x19: {  	s21 =	sadd.s32 s21, s25;
	s22 =	sadd.s32 s23, s22;
	s23 =	sadd.s32 s23, s25  }
0x1a: {  	s25 =	simm.s32 $0x1;
	[dreg:$0xc] =	wrdreg s1;
	s1 =	simm.s32 @!p1 $0x0  }
0x1b: {  	s26 =	simm.s32 $0x80;
	[dreg:$0xe] =	wrdreg s29;
	s1 =	simm.s32 @p1 $0x1  }
0x1c: {  	v0 =	vimm.f32 $-Inf;
	s4 =	simm.s32 $0x4;
	s2 =	simm.s32 $0x0;
	[smem:$0x7FD] =	sst s1  }
.LBB2_11:
0x1d: {  	_ =	swait.ge [sflag:s25], $0x900  }
0x1e: {  	[sflag:s25] =	ssyncset.done $0x0  }
0x1f: {  	s1 =	simm.s32 @!p1 $0x3;
	[sflag:s25] =	ssyncadd.s32 $0xFFFFF700  }
0x20: {  	_ =	swait.ge @!p1 [sflag:s1], $0x3E8  }
0x21: {  	[sflag:s1] =	ssyncset.done @!p1 $0x0  }
0x22: {  	[sflag:s1] =	ssyncadd.s32 @!p1 $0xFFFFFC18  }
0x23: {  	s3 =	simm.s32 @!p1 $0x0;
	s8 =	simm.s32 @!p1 $0x2000;
	s9 =	rddreg [dreg:$0x1]  }
0x24: {  	[hbm4b:s9+s3] =	stream.linear.scatter @!p1 [tilespmem:s8], [sflag:$0x3], $0x400, $0x38;
	[tilespmem:$0x2400] =	vst v63  }
0x25: {  	s8 =	simm.s32 $0x0;
	s9 =	rddreg [dreg:$0xb]  }
0x26: {  	[hbm4b:s9+s26] =	stream.strided.scatter [tilespmem:s8], [sflag:$0x2], $0x200, s28, s26, $0x38;
	[tilespmem:$0x2400] =	vst v63  }
0x27: {  	s11 =	simm.s32 $0x200;
	s10 =	rddreg [dreg:$0xc]  }
0x28: {  	[hbm4b:s10+s26] =	stream.strided.scatter [tilespmem:s11], [sflag:$0x2], $0x200, s28, s26, $0x38;
	[tilespmem:$0x2400] =	vst v63  }
0x29: {  	s12 =	rddreg [dreg:$0xd]  }
0x2a: {  	[hbm4b:s12+s26] =	stream.strided.scatter [tilespmem:s28], [sflag:$0x2], $0x200, s28, s26, $0x38;
	[tilespmem:$0x2400] =	vst v63  }
0x2b: {  	s30 =	simm.s32 $0x600;
	s29 =	rddreg [dreg:$0xe]  }
0x2c: {  	[hbm4b:s29+s26] =	stream.strided.scatter [tilespmem:s30], [sflag:$0x2], $0x200, s28, s26, $0x38;
	[tilespmem:$0x2400] =	vst v63  }
0x2d: {  	s9 =	rddreg [dreg:$0xf];
	s10 =	simm.s32 $0x800  }
0x2e: {  	[hbm4b:s9+s26] =	stream.strided.scatter [tilespmem:s10], [sflag:$0x2], $0x200, s28, s26, $0x38;
	[tilespmem:$0x2400] =	vst v63  }
0x2f: {  	s11 =	simm.s32 $0xA00  }
0x30: {  	[hbm4b:s13+s26] =	stream.strided.scatter [tilespmem:s11], [sflag:$0x2], $0x200, s28, s26, $0x38;
	[tilespmem:$0x2400] =	vst v63  }
0x31: {  	s12 =	simm.s32 $0xC00  }
0x32: {  	[hbm4b:s14+s26] =	stream.strided.scatter [tilespmem:s12], [sflag:$0x2], $0x200, s28, s26, $0x38;
	[tilespmem:$0x2400] =	vst v63  }
0x33: {  	s29 =	simm.s32 $0xE00  }
0x34: {  	[hbm4b:s15+s26] =	stream.strided.scatter [tilespmem:s29], [sflag:$0x2], $0x200, s28, s26, $0x38;
	[tilespmem:$0x2400] =	vst v63  }
0x35: {  	_ =	swait.ge [sflag:s4], $0x900  }
0x36: {  	[sflag:s4] =	ssyncset.done $0x0  }
0x37: {  	s30 =	simm.s32 $0x1000;
	[sflag:s4] =	ssyncadd.s32 $0xFFFFF700  }
0x38: {  	[hbm4b:s16+s26] =	stream.strided.scatter [tilespmem:s30], [sflag:$0x2], $0x200, s28, s26, $0x38;
	[tilespmem:$0x2400] =	vst v63  }
0x39: {  	s8 =	simm.s32 $0x1200  }
0x3a: {  	[hbm4b:s17+s26] =	stream.strided.scatter [tilespmem:s8], [sflag:$0x2], $0x200, s28, s26, $0x38;
	[tilespmem:$0x2400] =	vst v63  }
0x3b: {  	s9 =	simm.s32 $0x1400  }
0x3c: {  	[hbm4b:s18+s26] =	stream.strided.scatter [tilespmem:s9], [sflag:$0x2], $0x200, s28, s26, $0x38;
	[tilespmem:$0x2400] =	vst v63  }
0x3d: {  	s10 =	simm.s32 $0x1600  }
0x3e: {  	[hbm4b:s19+s26] =	stream.strided.scatter [tilespmem:s10], [sflag:$0x2], $0x200, s28, s26, $0x38;
	[tilespmem:$0x2400] =	vst v63  }
0x3f: {  	s11 =	simm.s32 $0x1800  }
0x40: {  	[hbm4b:s20+s26] =	stream.strided.scatter [tilespmem:s11], [sflag:$0x2], $0x200, s28, s26, $0x38;
	[tilespmem:$0x2400] =	vst v63  }
0x41: {  	s12 =	simm.s32 $0x1A00  }
0x42: {  	[hbm4b:s21+s26] =	stream.strided.scatter [tilespmem:s12], [sflag:$0x2], $0x200, s28, s26, $0x38;
	[tilespmem:$0x2400] =	vst v63  }
0x43: {  	s29 =	simm.s32 $0x1C00  }
0x44: {  	[hbm4b:s22+s26] =	stream.strided.scatter [tilespmem:s29], [sflag:$0x2], $0x200, s28, s26, $0x38;
	[tilespmem:$0x2400] =	vst v63  }
0x45: {  	s2 =	sadd.s32 $0x1, s2;
	s30 =	simm.s32 $0x1E00  }
0x46: {  	[hbm4b:s23+s26] =	stream.strided.scatter [tilespmem:s30], [sflag:$0x2], $0x200, s28, s26, $0x38;
	[tilespmem:$0x2400] =	vst v63  }
0x47: {  	p0 =	sne.s32 s2, s24;
	_ =	swait.ge [sflag:s31], $0x2000  }
.Ltmp1:
0x48: {  	[sflag:s31] =	ssyncset.done $0x0;
	(pc) =	sbr.rel @!p0 .LBB2_12-.Ltmp1, $4  }
0x49: {  	[sflag:s31] =	ssyncadd.s32 $0xFFFFE000  }
0x4a: {  	_ =	swait.ge @!p1 [sflag:s1], $0x3E8  }
0x4b: {  	[sflag:s1] =	ssyncset.done @!p1 $0x0  }
0x4c: {  	[sflag:s1] =	ssyncadd.s32 @!p1 $0xFFFFFC18  }
.LBB2_1:
0x4d: {  	s1 =	simm.s32 $0x0;
	s3 =	simm.s32 $0x0  }
.LBB2_2:
0x4e: {  	s29 =	sand.u32 $0x1, s3  }
0x4f: {  	p0 =	seq.s32 s29, $0x1;
	s29 =	smov.u32 s6  }
0x50: {  	s29 =	simm.s32 @!p0 $0x0  }
0x51: {  	s30 =	sshrl.u32 s3, $0x1;
	s29 =	sadd.s32 s5, s29  }
0x52: {  	s30 =	smul.u32 $0x4800, s30;
	s8 =	sand.u32 $0x7, s29;
	s29 =	sshrl.u32 s29, $0x3  }
0x53: {  	s29 =	smul.u32 $0x900, s29;
	s9 =	sadd.s32 $0x1, s8  }
0x54: {  	p1 =	sgt.s32 s8, $0x3;
	s9 =	smul.u32 s9, s8  }
0x55: {  	p2 =	sgt.s32 @p1 s8, $0x5  }
0x56: {  	s29 =	sadd.s32 s30, s29;
	p0 =	por !p2, !p1;
	s9 =	sshll.u32 s9, $0x5  }
0x57: {  	p0 =	seq.s32 @!p0 s8, $0x6;
	s9 =	sadd.s32 s9, s29  }
0x58: {  	p3 =	por @p1 !p0, !p2;
	s9 =	sadd.s32 $0x3E8, s9  }
0x59: {  	p0 =	por @p1 p0, !p2;
	p3 =	por p3, !p1;
	s9 =	sshrl.u32 s9, $0x3  }
0x5a: {  	p0 =	por p0, !p1;
	s29 =	simm.s32 @!p3 $0x0;
	s9 =	sadd.s32 s0, s9  }
0x5b: {  	[tilespmem:s1], [sflag:$0x1] =	stream.linear.gather @!p3 [hbm4b:s9+s29], $0x1C0, $0x38;
	[tilespmem:$0x2400] =	vst v63  }
0x5c: {  	s29 =	simm.s32 @!p0 $0x0  }
0x5d: {  	[tilespmem:s1], [sflag:$0x1] =	stream.linear.gather @!p0 [hbm4b:s9+s29], $0x200, $0x38;
	[tilespmem:$0x2400] =	vst v63  }
0x5e: {  	p0 =	por p2, !p1  }
0x5f: {  	p0 =	seq.s32 @!p0 s8, $0x4  }
0x60: {  	p3 =	por @p1 !p0, p2  }
0x61: {  	p0 =	por @p1 p0, p2;
	p3 =	por p3, !p1  }
0x62: {  	p0 =	por p0, !p1;
	s29 =	simm.s32 @!p3 $0x0  }
0x63: {  	[tilespmem:s1], [sflag:$0x1] =	stream.linear.gather @!p3 [hbm4b:s9+s29], $0x140, $0x38;
	[tilespmem:$0x2400] =	vst v63  }
0x64: {  	s29 =	simm.s32 @!p0 $0x0  }
0x65: {  	[tilespmem:s1], [sflag:$0x1] =	stream.linear.gather @!p0 [hbm4b:s9+s29], $0x180, $0x38;
	[tilespmem:$0x2400] =	vst v63  }
0x66: {  	p0 =	sgt.s32 @!p1 s8, $0x1  }
0x67: {  	p2 =	por !p0, p1  }
0x68: {  	p2 =	seq.s32 @!p2 s8, $0x2  }
0x69: {  	p3 =	por @!p1 !p2, !p0  }
0x6a: {  	p2 =	por @!p1 p2, !p0;
	p3 =	por p3, p1  }
0x6b: {  	p2 =	por p2, p1;
	s29 =	simm.s32 @!p3 $0x0  }
0x6c: {  	[tilespmem:s1], [sflag:$0x1] =	stream.linear.gather @!p3 [hbm4b:s9+s29], $0xC0, $0x38;
	[tilespmem:$0x2400] =	vst v63  }
0x6d: {  	s29 =	simm.s32 @!p2 $0x0  }
0x6e: {  	[tilespmem:s1], [sflag:$0x1] =	stream.linear.gather @!p2 [hbm4b:s9+s29], $0x100, $0x38;
	[tilespmem:$0x2400] =	vst v63  }
0x6f: {  	p2 =	por p0, p1  }
0x70: {  	p2 =	seq.s32 @!p2 s8, $0x0  }
0x71: {  	p3 =	por @!p1 !p2, p0  }
0x72: {  	p0 =	por @!p1 p2, p0;
	p3 =	por p3, p1  }
0x73: {  	p0 =	por p0, p1;
	s8 =	simm.s32 @!p3 $0x0  }
0x74: {  	[tilespmem:s1], [sflag:$0x1] =	stream.linear.gather @!p3 [hbm4b:s9+s8], $0x40, $0x38;
	[tilespmem:$0x2400] =	vst v63  }
0x75: {  	s3 =	sadd.s32 $0x1, s3;
	s8 =	simm.s32 @!p0 $0x0  }
0x76: {  	[tilespmem:s1], [sflag:$0x1] =	stream.linear.gather @!p0 [hbm4b:s9+s8], $0x80, $0x38;
	[tilespmem:$0x2400] =	vst v63  }
0x77: {  	p0 =	sne.s32 s3, $0x8  }
.Ltmp2:
0x78: {  	_ = 	snop;
	(pc) =	sbr.rel @p0 .LBB2_2-.Ltmp2, $2  }
0x79: {  	_ =	sdelay $0x2  }
0x7a: {  	s1 =	sadd.s32 $0x200, s1  }
0x7b: {  	s1 =	simm.s32 $0x8  }
0x7c: {  	s1 =	sand.u32 $0x1, s1  }
0x7d: {  	p0 =	seq.s32 s1, $0x1;
	s1 =	smov.u32 s6  }
0x7e: {  	s1 =	simm.s32 @!p0 $0x0  }
0x7f: {  	s8 =	simm.s32 $0x4;
	s1 =	sadd.s32 s5, s1  }
0x80: {  	s8 =	smul.u32 $0x4800, s8;
	s3 =	sshrl.u32 s1, $0x3;
	s1 =	sand.u32 $0x7, s1  }
0x81: {  	s3 =	smul.u32 $0x900, s3;
	s9 =	sadd.s32 $0x1, s1  }
0x82: {  	p1 =	sgt.s32 s1, $0x3;
	s9 =	smul.u32 s9, s1  }
0x83: {  	p2 =	sgt.s32 @p1 s1, $0x5  }
0x84: {  	p0 =	por !p2, !p1;
	s3 =	sadd.s32 s8, s3;
	s12 =	sshll.u32 s9, $0x5  }
0x85: {  	p4 =	por p2, !p1;
	p0 =	seq.s32 @!p0 s1, $0x6;
	s8 =	sadd.s32 s12, s3  }
0x86: {  	p3 =	por @p1 !p0, !p2;
	s3 =	simm.s32 $0x1000;
	s8 =	sadd.s32 $0x3E8, s8  }
0x87: {  	p0 =	por @p1 p0, !p2;
	p3 =	por p3, !p1;
	s8 =	sshrl.u32 s8, $0x3  }
0x88: {  	p0 =	por p0, !p1;
	s29 =	sadd.s32 s0, s8;
	s8 =	simm.s32 @!p3 $0x0  }
0x89: {  	[tilespmem:s3], [sflag:$0x4] =	stream.linear.gather @!p3 [hbm4b:s29+s8], $0x1C0, $0x38;
	[tilespmem:$0x2400] =	vst v63  }
0x8a: {  	p3 =	seq.s32 @!p4 s1, $0x4;
	s8 =	simm.s32 @!p0 $0x0  }
0x8b: {  	[tilespmem:s3], [sflag:$0x4] =	stream.linear.gather @!p0 [hbm4b:s29+s8], $0x200, $0x38;
	[tilespmem:$0x2400] =	vst v63  }
0x8c: {  	p4 =	por @p1 !p3, p2;
	p0 =	sgt.s32 @!p1 s1, $0x1  }
0x8d: {  	p2 =	por @p1 p3, p2;
	p4 =	por p4, !p1;
	p3 =	por !p0, p1  }
0x8e: {  	p2 =	por p2, !p1;
	s8 =	simm.s32 @!p4 $0x0;
	p3 =	seq.s32 @!p3 s1, $0x2  }
0x8f: {  	[tilespmem:s3], [sflag:$0x4] =	stream.linear.gather @!p4 [hbm4b:s29+s8], $0x140, $0x38;
	[tilespmem:$0x2400] =	vst v63  }
0x90: {  	s8 =	simm.s32 @!p2 $0x0;
	p4 =	por @!p1 !p3, !p0  }
0x91: {  	[tilespmem:s3], [sflag:$0x4] =	stream.linear.gather @!p2 [hbm4b:s29+s8], $0x180, $0x38;
	[tilespmem:$0x2400] =	vst v63  }
0x92: {  	p3 =	por @!p1 p3, !p0;
	p2 =	por p4, p1;
	p4 =	por p0, p1  }
0x93: {  	p3 =	por p3, p1;
	p4 =	seq.s32 @!p4 s1, $0x0;
	s1 =	simm.s32 @!p2 $0x0  }
0x94: {  	[tilespmem:s3], [sflag:$0x4] =	stream.linear.gather @!p2 [hbm4b:s29+s1], $0xC0, $0x38;
	[tilespmem:$0x2400] =	vst v63  }
0x95: {  	s30 =	simm.s32 @!p3 $0x0;
	p2 =	por @!p1 !p4, p0  }
0x96: {  	p0 =	por @!p1 p4, p0;
	s1 =	simm.s32 $0x9;
	p6 =	por p2, p1  }
.LBB2_4:
0x97: {  	p1 =	por p0, p1;
	s12 =	smov.u32 s1;
	s1 =	sadd.s32 $0x1, s1  }
0x98: {  	s9 =	smov.u32 s3;
	s10 =	smov.u32 s29;
	p0 =	sne.s32 s1, $0x10  }
0x99: {  	[tilespmem:s9], [sflag:$0x4] =	stream.linear.gather @!p3 [hbm4b:s10+s30], $0x100, $0x38;
	[tilespmem:$0x2400] =	vst v63  }
0x9a: {  	s29 =	sand.u32 $0x1, s12;
	s11 =	simm.s32 @!p0 $0x0  }
0x9b: {  	s11 =	simm.s32 @p0 $0x1;
	p0 =	seq.s32 s29, $0x1;
	s29 =	simm.s32 @!p6 $0x0  }
0x9c: {  	[tilespmem:s9], [sflag:$0x4] =	stream.linear.gather @!p6 [hbm4b:s10+s29], $0x40, $0x38;
	[tilespmem:$0x2400] =	vst v63  }
0x9d: {  	s8 =	simm.s32 @!p1 $0x0;
	s29 =	smov.u32 s6  }
0x9e: {  	s8 =	simm.s32 @p1 $0x1;
	s29 =	simm.s32 @!p0 $0x0  }
0x9f: {  	[smem:$0x7F8] =	sst s8;
	s29 =	sadd.s32 s5, s29  }
0xa0: {  	s8 =	sshrl.u32 s12, $0x1;
	[smem:$0x7FC] =	sst s11;
	s30 =	sand.u32 $0x7, s29  }
0xa1: {  	s11 =	simm.s32 @!p1 $0x0;
	s8 =	smul.u32 $0x4800, s8;
	p1 =	sgt.s32 s30, $0x3  }
0xa2: {  	s29 =	sshrl.u32 s29, $0x3;
	p6 =	sgt.s32 @p1 s30, $0x5;
	p4 =	sgt.s32 @!p1 s30, $0x1  }
0xa3: {  	s29 =	smul.u32 $0x900, s29;
	p0 =	por !p6, !p1;
	p2 =	por !p4, p1  }
0xa4: {  	s12 =	sadd.s32 $0x1, s30;
	p5 =	seq.s32 @!p0 s30, $0x6;
	p0 =	seq.s32 @!p2 s30, $0x2  }
0xa5: {  	s12 =	smul.u32 s12, s30;
	p2 =	por @!p1 !p0, !p4  }
0xa6: {  	s8 =	sadd.s32 s8, s29;
	p3 =	por @p1 !p5, !p6;
	s29 =	simm.s32 @!p2 $0x0  }
0xa7: {  	s12 =	sshll.u32 s12, $0x5;
	s29 =	simm.s32 @p2 $0x1;
	p2 =	por p3, !p1  }
0xa8: {  	s8 =	sadd.s32 s12, s8;
	p3 =	por @p1 p5, !p6;
	s12 =	simm.s32 @!p2 $0x0  }
0xa9: {  	p3 =	por p3, !p1;
	s12 =	simm.s32 @p2 $0x1  }
0xaa: {  	[smem:$0x7F7] =	sst s12;
	s12 =	simm.s32 @!p3 $0x0  }
0xab: {  	s12 =	simm.s32 @p3 $0x1  }
0xac: {  	[smem:$0x7FA] =	sst s12  }
0xad: {  	s12 =	sld [smem:$0x7F7]  }
0xae: {  	p0 =	por @!p1 p0, !p4  }
0xaf: {  	p0 =	por p0, p1;
	p2 =	por p6, !p1  }
0xb0: {  	p5 =	seq.s32 @!p2 s30, $0x4;
	p2 =	seq.s32 s12, $0x1;
	s12 =	simm.s32 @!p0 $0x0  }
0xb1: {  	s12 =	simm.s32 @p0 $0x1  }
0xb2: {  	[smem:$0x7FB] =	sst s12  }
0xb3: {  	s12 =	sld [smem:$0x7F8]  }
0xb4: {  	s8 =	sadd.s32 $0x3E8, s8  }
0xb5: {  	s3 =	sadd.s32 $0x200, s3;
	s8 =	sshrl.u32 s8, $0x3;
	[smem:$0x7F9] =	sst s29  }
0xb6: {  	s29 =	sadd.s32 s0, s8;
	p0 =	seq.s32 s12, $0x1;
	s12 =	sld [smem:$0x7F9]  }
0xb7: {  	[tilespmem:s9], [sflag:$0x4] =	stream.linear.gather @!p0 [hbm4b:s10+s11], $0x80, $0x38;
	[tilespmem:$0x2400] =	vst v63  }
0xb8: {  	s8 =	simm.s32 @!p2 $0x0;
	s9 =	simm.s32 @!p3 $0x0;
	s10 =	sld [smem:$0x7FA]  }
0xb9: {  	p0 =	por @p1 !p5, p6;
	p5 =	por @p1 p5, p6;
	p6 =	por p4, p1  }
0xba: {  	[tilespmem:s3], [sflag:$0x4] =	stream.linear.gather @!p2 [hbm4b:s29+s8], $0x1C0, $0x38;
	[tilespmem:$0x2400] =	vst v63  }
0xbb: {  	s11 =	sld [smem:$0x7FB];
	p0 =	por p0, !p1;
	p2 =	seq.s32 s10, $0x1  }
0xbc: {  	[tilespmem:s3], [sflag:$0x4] =	stream.linear.gather @!p2 [hbm4b:s29+s9], $0x200, $0x38;
	[tilespmem:$0x2400] =	vst v63  }
0xbd: {  	p3 =	seq.s32 s12, $0x1;
	s8 =	simm.s32 @!p0 $0x0;
	p2 =	por p5, !p1  }
0xbe: {  	[tilespmem:s3], [sflag:$0x4] =	stream.linear.gather @!p0 [hbm4b:s29+s8], $0x140, $0x38;
	[tilespmem:$0x2400] =	vst v63  }
0xbf: {  	s12 =	sld [smem:$0x7FC];
	p3 =	por p3, p1;
	s8 =	simm.s32 @!p2 $0x0  }
0xc0: {  	[tilespmem:s3], [sflag:$0x4] =	stream.linear.gather @!p2 [hbm4b:s29+s8], $0x180, $0x38;
	[tilespmem:$0x2400] =	vst v63  }
0xc1: {  	p5 =	seq.s32 @!p6 s30, $0x0;
	s9 =	simm.s32 @!p3 $0x0;
	p2 =	seq.s32 s11, $0x1  }
0xc2: {  	[tilespmem:s3], [sflag:$0x4] =	stream.linear.gather @!p3 [hbm4b:s29+s9], $0xC0, $0x38;
	[tilespmem:$0x2400] =	vst v63  }
0xc3: {  	s30 =	simm.s32 @!p2 $0x0;
	p3 =	por p2, p2;
	p2 =	seq.s32 s12, $0x1  }
.Ltmp3:
0xc4: {  	_ = 	snop;
	(pc) =	sbr.rel @p2 .LBB2_4-.Ltmp3, $3  }
0xc5: {  	_ =	sdelay $0x1  }
0xc6: {  	p0 =	por @!p1 !p5, p4  }
0xc7: {  	p6 =	por p0, p1;
	p0 =	por @!p1 p5, p4  }
0xc8: {  	[tilespmem:s3], [sflag:$0x4] =	stream.linear.gather @!p3 [hbm4b:s29+s30], $0x100, $0x38;
	[tilespmem:$0x2400] =	vst v63  }
0xc9: {  	s30 =	sld [smem:$0x7FD]  }
0xca: {  	p0 =	por p0, p1;
	s1 =	simm.s32 @!p6 $0x0  }
0xcb: {  	[tilespmem:s3], [sflag:$0x4] =	stream.linear.gather @!p6 [hbm4b:s29+s1], $0x40, $0x38;
	[tilespmem:$0x2400] =	vst v63  }
.Ltmp4:
0xcc: {  	s1 =	simm.s32 @!p0 $0x0;
	p1 =	seq.s32 s30, $0x1;
	(pc) =	sbr.rel .LBB2_6-.Ltmp4, $4  }
0xcd: {  	[tilespmem:s3], [sflag:$0x4] =	stream.linear.gather @!p0 [hbm4b:s29+s1], $0x80, $0x38;
	[tilespmem:$0x2400] =	vst v63  }
0xce: {  	s1 =	simm.s32 @!p1 $0x0;
	s3 =	simm.s32 @!p1 $0x2000  }
0xcf: {  	[tilespmem:s3], [sflag:$0x3] =	stream.linear.gather @!p1 [hbm4b:s0+s1], $0x3E8, $0x38;
	[tilespmem:$0x2400] =	vst v63  }
0xd0: {  	s1 =	simm.s32 $0x0;
	s3 =	simm.s32 $0x0  }
.LBB2_9:
0xd1: {  	[tilespmem:s30+$0x20] =	vst v0  }
.LBB2_10:
0xd2: {  	s3 =	sadd.s32 $0x1, s3  }
0xd3: {  	p0 =	sne.s32 s3, $0x10  }
.Ltmp5:
0xd4: {  	_ = 	snop;
	(pc) =	sbr.rel @!p0 .LBB2_11-.Ltmp5, $2  }
0xd5: {  	_ =	sdelay $0x2  }
0xd6: {  	s1 =	sadd.s32 $0x200, s1  }
.LBB2_6:
0xd7: {  	s8 =	sand.u32 $0x1, s3  }
0xd8: {  	p0 =	seq.s32 s8, $0x1;
	s8 =	smov.u32 s7  }
0xd9: {  	s8 =	simm.s32 @!p0 $0x0  }
0xda: {  	s8 =	sadd.s32 s5, s8  }
0xdb: {  	s29 =	sand.u32 $0x7, s8  }
0xdc: {  	p0 =	seq.s32 s29, $0x7  }
.Ltmp6:
0xdd: {  	_ = 	snop;
	(pc) =	sbr.rel @p0 .LBB2_10-.Ltmp6, $1  }
0xde: {  	_ =	sdelay $0x3  }
0xdf: {  	s8 =	sshll.u32 s29, $0x6  }
0xe0: {  	s8 =	sadd.s32 $0x40, s8  }
0xe1: {  	s9 =	sadd.s32 s8, s1;
	p0 =	sne.s32 s8, $0x1C0  }
.Ltmp7:
0xe2: {  	s10 =	sand.u32 $0x40, s8;
	s9 =	sand.u32 $0x3F80, s9;
	(pc) =	sbr.rel @!p0 .LBB2_9-.Ltmp7, $4  }
0xe3: {  	s30 =	sor.u32 s10, s9  }
0xe4: {  	[tilespmem:s30+$0x30] =	vst v0  }
0xe5: {  	[tilespmem:s30+$0x0] =	vst v0  }
0xe6: {  	s29 =	sadd.s32 $0x40, s8;
	[tilespmem:s30+$0x10] =	vst v0  }
.LBB2_8:
0xe7: {  	s8 =	sadd.s32 s29, s1  }
0xe8: {  	p0 =	sne.s32 s29, $0x1C0;
	[tilespmem:s30+$0x20] =	vst v0;
	s9 =	smov.u32 s29;
	s29 =	sadd.s32 $0x40, s29  }
.Ltmp8:
0xe9: {  	s8 =	sand.u32 $0x3F80, s8;
	s9 =	sand.u32 $0x40, s9;
	(pc) =	sbr.rel @p0 .LBB2_8-.Ltmp8, $4  }
0xea: {  	s30 =	sor.u32 s9, s8  }
0xeb: {  	[tilespmem:s30+$0x30] =	vst v0  }
0xec: {  	[tilespmem:s30+$0x0] =	vst v0  }
0xed: {  	[tilespmem:s30+$0x10] =	vst v0  }
.Ltmp9:
0xee: {  	_ = 	snop;
	(pc) =	sbr.rel .LBB2_9-.Ltmp9, $1  }
0xef: {  	_ =	sdelay $0x3  }
.LBB2_12:
0xf0: {  	_ =	sfence.sel $0x180000  }
0xf1: {  	[bflag:$0x0] =	sbarrier.arrive $0xFFFF  }
0xf2: {  	_ =	strace $0x90000047  }
0xf3: {  	s0 =	stileid.u32;
	[bflag:$0x2] =	sbarrier.arrive $0xFFFF  }
0xf4: {  	p0 =	sne.s32 s0, $0x0;
	s0 =	rddreg [dreg:$0xa]  }
0xf5: {  	s0 =	sadd.s32 @!p0 $0x100000, s0  }
0xf6: {  	[sflag:s0] =	ssyncadd.tile.s32 @!p0 $0x1;
	_ =	shalt  }
.Lfunc_end2:
_tile_overlayer_lowered:
.L_overlay_start_2:
0xf7: {  	(tag) =	ssettag $0x2  }
0xf8: {  	s0 =	rddreg [dreg:$0x0];
	s2 =	stileid.u32  }
0xf9: {  	s1 =	rddreg [dreg:$0x1];
	p0 =	sne.s32 s2, $0x0  }
0xfa: {  	s3 =	rddreg [dreg:$0x2];
	[bflag:$0x3] =	sbarrier.arrive $0xFFFF;
	s2 =	simm.s32 @!p0 $0x1C05  }
0xfb: {  	[timem:s3], [sflag:s2] =	dma.local @!p0 [hbm:s0], s1  }
0xfc: {  	s0 =	simm.s32 @!p0 $0x5  }
0xfd: {  	_ =	swait.ge @!p0 [sflag:s0], s1  }
0xfe: {  	s1 =	ssub.s32 @!p0 $0x0, s1;
	[sflag:s0] =	ssyncset.done @!p0 $0x0  }
0xff: {  	[sflag:s0] =	ssyncadd.s32 @!p0 s1  }
0x100: {  	[bflag:$0x3] =	sbarrier.arrive $0xFFFF  }
0x101: {  	_ =	shalt  }

</sc_bundles>
